<compile_context>
chip_gen: v7x
topology: tpu7x:2x2x1
jax: 0.10.2.dev20260603
libtpu: 0.0.44.dev20260713+nightly
codegen_flags: <defaults>
</compile_context>

<pallas_src>
import dataclasses
import functools

import jax
import jax.numpy as jnp
from jax import lax
from jax.experimental import pallas as pl
from jax.experimental.pallas import tpu as pltpu
from jax.experimental.pallas import tpu_sc as plsc

K = 100
N = 1_000_000
ROWS = 32
BLOCK = 8192
NBLK = (N + BLOCK - 1) // BLOCK
NPAD = NBLK * BLOCK
NSLOT = BLOCK
FOLD = 1024
CAP = 2048
SLOTCAP = 1024
NEG_INF = float("-inf")

_SC_PARAMS = pltpu.CompilerParams()
if "needs_layout_passes" in pltpu.CompilerParams.__dataclass_fields__:
    _SC_PARAMS = dataclasses.replace(
        _SC_PARAMS, needs_layout_passes=False, use_tc_tiling_on_sc=False)


def _stage_a(img_ref, idx_ref, sims_ref, smax_ref, thr_ref):
    b = pl.program_id(0)
    sims = lax.dot_general(
        img_ref[...], idx_ref[...],
        dimension_numbers=(((1,), (1,)), ((), ())),
        preferred_element_type=jnp.float32,
    )

    @pl.when(b == 0)
    def _():
        sims_ref[...] = sims
        smax_ref[...] = sims

    @pl.when(jnp.logical_and(b > 0, b < NBLK - 1))
    def _():
        sims_ref[...] = sims
        smax_ref[...] = jnp.maximum(smax_ref[...], sims)

    @pl.when(b == NBLK - 1)
    def _():
        cols = b * BLOCK + lax.broadcasted_iota(jnp.int32, sims.shape, 1)
        masked = jnp.where(cols < N, sims, NEG_INF)
        sims_ref[...] = masked
        smax_ref[...] = jnp.maximum(smax_ref[...], masked)

        rm = smax_ref[...]
        v = rm[:, :FOLD]
        for off in range(1, NSLOT // FOLD):
            v = jnp.maximum(v, rm[:, off * FOLD:(off + 1) * FOLD])

        def body(_, carry):
            v, _m = carry
            m = jnp.max(v, axis=1, keepdims=True)
            v = jnp.where(v == m, NEG_INF, v)
            return v, m

        _, t = lax.fori_loop(0, K, body, (v, jnp.zeros((ROWS, 1), jnp.float32)))
        thr_ref[...] = jnp.broadcast_to(t, (ROWS, 128))


def _stage_c(cv_ref, ci_ref, out_ref, v_ref):
    v_ref[...] = cv_ref[...]
    lanes = lax.broadcasted_iota(jnp.int32, (ROWS, 128), 1)
    big = jnp.int32(2 ** 30)

    def body(it, outb):
        v = v_ref[...]
        ii = ci_ref[...]
        m = jnp.max(v, axis=1, keepdims=True)
        sel = v == m
        mi = jnp.min(jnp.where(sel, ii, big), axis=1, keepdims=True)
        v_ref[...] = jnp.where(sel & (ii == mi), NEG_INF, v)
        return jnp.where(lanes == it, mi, outb)

    out_ref[...] = lax.fori_loop(0, K, body, jnp.zeros((ROWS, 128), jnp.int32))


def kernel(image_embs, index):
    sims, slotmax, thr = pl.pallas_call(
        _stage_a,
        grid=(NBLK,),
        in_specs=[
            pl.BlockSpec((ROWS, 64), lambda b: (0, 0)),
            pl.BlockSpec((BLOCK, 64), lambda b: (b, 0)),
        ],
        out_specs=[
            pl.BlockSpec((ROWS, BLOCK), lambda b: (0, b)),
            pl.BlockSpec((ROWS, NSLOT), lambda b: (0, 0)),
            pl.BlockSpec((ROWS, 128), lambda b: (0, 0)),
        ],
        out_shape=[
            jax.ShapeDtypeStruct((ROWS, NPAD), jnp.float32),
            jax.ShapeDtypeStruct((ROWS, NSLOT), jnp.float32),
            jax.ShapeDtypeStruct((ROWS, 128), jnp.float32),
        ],
    )(image_embs, index)

    @functools.partial(
        pl.kernel,
        out_type=[
            jax.ShapeDtypeStruct((ROWS, CAP), jnp.float32),
            jax.ShapeDtypeStruct((ROWS, CAP), jnp.int32),
        ],
        mesh=plsc.VectorSubcoreMesh(
            core_axis_name="core", subcore_axis_name="subcore"
        ),
        scratch_types=[
            pltpu.VMEM((NSLOT,), jnp.float32),
            pltpu.VMEM((128,), jnp.float32),
            pltpu.VMEM((SLOTCAP,), jnp.int32),
            pltpu.VMEM((16, 128), jnp.int32),
            pltpu.VMEM((16, 128, 16), jnp.float32),
            pltpu.VMEM((CAP,), jnp.float32),
            pltpu.VMEM((CAP,), jnp.int32),
            pltpu.SemaphoreType.DMA,
        ],
        compiler_params=_SC_PARAMS,
    )
    def sc_select(sims_hbm, smax_hbm, thr_hbm, dummy_hbm, cv_hbm, ci_hbm,
                  smax_v, thr_v, hits_v, gidx_v, gval_v, cv_v, ci_v, dsem):
        r = lax.axis_index("subcore") * 2 + lax.axis_index("core")
        pltpu.sync_copy(smax_hbm.at[r], smax_v)
        pltpu.sync_copy(thr_hbm.at[r], thr_v)
        tvec = thr_v[pl.ds(0, 16)]
        iota16 = lax.iota(jnp.int32, 16)

        def init_body(i, c):
            cv_v[pl.ds(i * 16, 16)] = jnp.full((16,), NEG_INF, jnp.float32)
            ci_v[pl.ds(i * 16, 16)] = jnp.zeros((16,), jnp.int32)
            return c
        lax.fori_loop(0, CAP // 16, init_body, 0)

        def scan_body(i, cnt):
            chunk = smax_v[pl.ds(i * 16, 16)]
            m = chunk >= tvec
            sid = iota16 + i * 16
            off = jnp.minimum(cnt, SLOTCAP - 16)
            plsc.store_compressed(hits_v.at[pl.ds(off, 16)], sid, mask=m)
            return cnt + jnp.sum(m.astype(jnp.int32))

        cnt = lax.fori_loop(0, NSLOT // 16, scan_body, jnp.int32(0))
        cnt = jnp.minimum(cnt, SLOTCAP)
        nchunks = (cnt + 15) >> 4
        rowbase = r * (NPAD // 16)

        def chunk_body(c, ccnt):
            svec = hits_v[pl.ds(c * 16, 16)]
            valid = (iota16 + c * 16) < jnp.broadcast_to(cnt, (16,))
            svec = jnp.where(valid, svec, 0)
            lane = svec & 15

            def fire(bg, z):
                for bl in range(8):
                    b = bg * 8 + bl
                    idxv = jnp.where(b < NBLK,
                                     rowbase + ((svec + b * BLOCK) >> 4), 0)
                    gidx_v[bg, pl.ds(bl * 16, 16)] = idxv
                pltpu.async_copy(sims_hbm.at[gidx_v.at[bg]],
                                 gval_v.at[bg], dsem)
                return z
            lax.fori_loop(0, 16, fire, 0)
            pltpu.make_async_copy(dummy_hbm, gval_v, dsem).wait()

            def filt(b, ccnt):
                g = plsc.load_gather(gval_v.at[b >> 3],
                                     [((b & 7) << 4) + iota16, lane])
                gi = svec + b * BLOCK
                m = jnp.logical_and(g >= tvec, valid)
                off = jnp.minimum(ccnt, CAP - 16)
                plsc.store_compressed(cv_v.at[pl.ds(off, 16)], g, mask=m)
                plsc.store_compressed(ci_v.at[pl.ds(off, 16)], gi, mask=m)
                return ccnt + jnp.sum(m.astype(jnp.int32))

            return lax.fori_loop(0, NBLK, filt, ccnt)

        lax.fori_loop(0, nchunks, chunk_body, jnp.int32(0))
        pltpu.sync_copy(cv_v, cv_hbm.at[r])
        pltpu.sync_copy(ci_v, ci_hbm.at[r])

    cv, ci = sc_select(sims.reshape(ROWS * NPAD // 16, 16), slotmax, thr,
                       jnp.zeros((16, 128, 16), jnp.float32))

    idx = pl.pallas_call(
        _stage_c,
        out_shape=jax.ShapeDtypeStruct((ROWS, 128), jnp.int32),
        scratch_shapes=[pltpu.VMEM((ROWS, CAP), jnp.float32)],
    )(cv, ci)
    return idx[:, :K]

# --- scband reference (transcript-rebuilt; emitter-appended) ---
"""Pipeline reference for scband-faissindex-wrapper-14010183320249 (READ-ONLY COPY).

The authoritative reference and input builder live on the scoring server;
editing this copy changes nothing except your own understanding.
"""

import jax, jax.numpy as jnp
import numpy as np

K_NEIGHBORS = 100


def setup_inputs(seed: int = 0) -> dict:
    key = jax.random.key(seed)
    k1, k2 = jax.random.split(key)
    image_embs = jax.random.normal(k1, (32, 64), dtype=jnp.float32)
    # Learned/baked-in parameter: the FAISS-style flat IP index (text embeddings)
    index = jax.random.normal(k2, (1000000, 64), dtype=jnp.float32)
    return {"image_embs": image_embs, "index": index}


def reference(image_embs, index):
    # sims = image_embs @ index.T  (inner-product similarity, faiss IndexFlatIP)
    sims = image_embs @ index.T
    # torch.topk(sims, k, dim=-1).indices -> int32
    _, idx = jax.lax.top_k(sims, K_NEIGHBORS)
    return idx.astype(jnp.int32)

if __name__ == "__main__":
    import jax
    _d = setup_inputs()
    print(jax.jit(kernel)(*tuple(_d.values())))

</pallas_src>

<mosaic_0001>
#map = affine_map<(d0, d1) -> (0, 0)>
#map1 = affine_map<(d0, d1) -> (0, 0, 0)>
module attributes {stable_mosaic.version = 14 : i64} {
  func.func @sc_select(%arg0: i32, %arg1: i32, %arg2: memref<2015232x16xf32, #tpu.memory_space<hbm>>, %arg3: memref<32x8192xf32, #tpu.memory_space<hbm>>, %arg4: memref<32x128xf32, #tpu.memory_space<hbm>>, %arg5: memref<16x128x16xf32, #tpu.memory_space<hbm>>, %arg6: memref<32x2048xf32, #tpu.memory_space<hbm>>, %arg7: memref<32x2048xi32, #tpu.memory_space<hbm>>, %arg8: memref<8192xf32, #tpu.memory_space<vmem>>, %arg9: memref<128xf32, #tpu.memory_space<vmem>>, %arg10: memref<1024xi32, #tpu.memory_space<vmem>>, %arg11: memref<16x128xi32, #tpu.memory_space<vmem>>, %arg12: memref<16x128x16xf32, #tpu.memory_space<vmem>>, %arg13: memref<2048xf32, #tpu.memory_space<vmem>>, %arg14: memref<2048xi32, #tpu.memory_space<vmem>>, %arg15: memref<!tpu.dma_semaphore, #tpu.memory_space<semaphore_mem>>) attributes {dimension_semantics = [#tpu.dimension_semantics<core_parallel>, #tpu.dimension_semantics<subcore_parallel>], iteration_bounds = array<i64: 2, 16>, scalar_prefetch = 0 : i64, scratch_operands = 8 : i64, tpu.core_type = #tpu.core_type<sc_vector_subcore>, window_params = [{transform_indices = #map}, {transform_indices = #map}, {transform_indices = #map}, {transform_indices = #map1}, {transform_indices = #map}, {transform_indices = #map}]} {
    %mul3A = arith.constant 2 : i32
    %mul3A_0 = arith.muli %arg1, %mul3A : i32
    %add3A = arith.addi %mul3A_0, %arg0 : i32
    "tpu.region"() ({
      %run_scoped3A = tpu.sem_alloc : memref<!tpu.dma_semaphore, #tpu.memory_space<semaphore_mem>>
      %dma_start3A = arith.constant 0 : i32
      %dma_start3A_31 = tpu.memref_slice %arg3[%add3A, %dma_start3A] : memref<32x8192xf32, #tpu.memory_space<hbm>> -> memref<1x8192xf32, #tpu.memory_space<hbm>>
      %dma_start3A_32 = tpu.memref_squeeze %dma_start3A_31 : memref<1x8192xf32, #tpu.memory_space<hbm>> -> memref<8192xf32, #tpu.memory_space<hbm>>
      %dma_start3A_33 = arith.constant 0 : i32
      %dma_start3A_34 = tpu.memref_slice %arg3[%add3A, %dma_start3A_33] : memref<32x8192xf32, #tpu.memory_space<hbm>> -> memref<1x8192xf32, #tpu.memory_space<hbm>>
      %dma_start3A_35 = tpu.memref_squeeze %dma_start3A_34 : memref<1x8192xf32, #tpu.memory_space<hbm>> -> memref<8192xf32, #tpu.memory_space<hbm>>
      tpu.enqueue_dma source(%dma_start3A_35 : memref<8192xf32, #tpu.memory_space<hbm>>) target(%arg8 : memref<8192xf32, #tpu.memory_space<vmem>>) target_semaphore(%run_scoped3A : memref<!tpu.dma_semaphore, #tpu.memory_space<semaphore_mem>>)
      %dma_wait3A = arith.constant 0 : i32
      %dma_wait3A_36 = tpu.memref_slice %arg3[%add3A, %dma_wait3A] : memref<32x8192xf32, #tpu.memory_space<hbm>> -> memref<1x8192xf32, #tpu.memory_space<hbm>>
      %dma_wait3A_37 = tpu.memref_squeeze %dma_wait3A_36 : memref<1x8192xf32, #tpu.memory_space<hbm>> -> memref<8192xf32, #tpu.memory_space<hbm>>
      %dma_wait3A_38 = arith.constant 0 : i32
      %dma_wait3A_39 = tpu.memref_slice %arg3[%add3A, %dma_wait3A_38] : memref<32x8192xf32, #tpu.memory_space<hbm>> -> memref<1x8192xf32, #tpu.memory_space<hbm>>
      %dma_wait3A_40 = tpu.memref_squeeze %dma_wait3A_39 : memref<1x8192xf32, #tpu.memory_space<hbm>> -> memref<8192xf32, #tpu.memory_space<hbm>>
      tpu.wait_dma2 semaphore(%run_scoped3A : memref<!tpu.dma_semaphore, #tpu.memory_space<semaphore_mem>>) src(%dma_wait3A_40 : memref<8192xf32, #tpu.memory_space<hbm>>) dst(%arg8 : memref<8192xf32, #tpu.memory_space<vmem>>)
      tpu.yield
    }) : () -> ()
    "tpu.region"() ({
      %run_scoped3A = tpu.sem_alloc : memref<!tpu.dma_semaphore, #tpu.memory_space<semaphore_mem>>
      %dma_start3A = arith.constant 0 : i32
      %dma_start3A_31 = tpu.memref_slice %arg4[%add3A, %dma_start3A] : memref<32x128xf32, #tpu.memory_space<hbm>> -> memref<1x128xf32, #tpu.memory_space<hbm>>
      %dma_start3A_32 = tpu.memref_squeeze %dma_start3A_31 : memref<1x128xf32, #tpu.memory_space<hbm>> -> memref<128xf32, #tpu.memory_space<hbm>>
      %dma_start3A_33 = arith.constant 0 : i32
      %dma_start3A_34 = tpu.memref_slice %arg4[%add3A, %dma_start3A_33] : memref<32x128xf32, #tpu.memory_space<hbm>> -> memref<1x128xf32, #tpu.memory_space<hbm>>
      %dma_start3A_35 = tpu.memref_squeeze %dma_start3A_34 : memref<1x128xf32, #tpu.memory_space<hbm>> -> memref<128xf32, #tpu.memory_space<hbm>>
      tpu.enqueue_dma source(%dma_start3A_35 : memref<128xf32, #tpu.memory_space<hbm>>) target(%arg9 : memref<128xf32, #tpu.memory_space<vmem>>) target_semaphore(%run_scoped3A : memref<!tpu.dma_semaphore, #tpu.memory_space<semaphore_mem>>)
      %dma_wait3A = arith.constant 0 : i32
      %dma_wait3A_36 = tpu.memref_slice %arg4[%add3A, %dma_wait3A] : memref<32x128xf32, #tpu.memory_space<hbm>> -> memref<1x128xf32, #tpu.memory_space<hbm>>
      %dma_wait3A_37 = tpu.memref_squeeze %dma_wait3A_36 : memref<1x128xf32, #tpu.memory_space<hbm>> -> memref<128xf32, #tpu.memory_space<hbm>>
      %dma_wait3A_38 = arith.constant 0 : i32
      %dma_wait3A_39 = tpu.memref_slice %arg4[%add3A, %dma_wait3A_38] : memref<32x128xf32, #tpu.memory_space<hbm>> -> memref<1x128xf32, #tpu.memory_space<hbm>>
      %dma_wait3A_40 = tpu.memref_squeeze %dma_wait3A_39 : memref<1x128xf32, #tpu.memory_space<hbm>> -> memref<128xf32, #tpu.memory_space<hbm>>
      tpu.wait_dma2 semaphore(%run_scoped3A : memref<!tpu.dma_semaphore, #tpu.memory_space<semaphore_mem>>) src(%dma_wait3A_40 : memref<128xf32, #tpu.memory_space<hbm>>) dst(%arg9 : memref<128xf32, #tpu.memory_space<vmem>>)
      tpu.yield
    }) : () -> ()
    %get3A = arith.constant 0 : index
    %get3A_1 = tpu.vector_load %arg9[%get3A] {strides = array<i32>} : memref<128xf32, #tpu.memory_space<vmem>>, vector<16xf32>,
    %iota3A = tpu.iota {dimensions = array<i32: 0>} : vector<16xi32>
    %scan3A = arith.constant 0 : i32
    %scan3A_2 = arith.constant 0 : i32
    %scan3A_3 = arith.constant 128 : i32
    %scan3A_4 = arith.addi %scan3A_2, %scan3A_3 : i32
    %scan3A_5 = arith.constant 1 : i32
    scf.for %scan3A_31 = %scan3A_2 to %scan3A_4 step %scan3A_5  : i32 {
      %broadcast_in_dim3A = arith.constant 0xFF800000 : f32
      %broadcast_in_dim3A_32 = vector.broadcast %broadcast_in_dim3A : f32 to vector<16xf32>
      %mul3A_33 = arith.constant 16 : i32
      %mul3A_34 = arith.muli %scan3A_31, %mul3A_33 : i32
      %swap3A = arith.index_cast %mul3A_34 : i32 to index
      %swap3A_35 = tpu.vector_load %arg13[%swap3A] {strides = array<i32>} : memref<2048xf32, #tpu.memory_space<vmem>>, vector<16xf32>,
      tpu.vector_store %arg13[%swap3A], %broadcast_in_dim3A_32 {strides = array<i32>} : memref<2048xf32, #tpu.memory_space<vmem>>, vector<16xf32>,
      %broadcast_in_dim3A_36 = arith.constant 0 : i32
      %broadcast_in_dim3A_37 = vector.broadcast %broadcast_in_dim3A_36 : i32 to vector<16xi32>
      %mul3A_38 = arith.constant 16 : i32
      %mul3A_39 = arith.muli %scan3A_31, %mul3A_38 : i32
      %swap3A_40 = arith.index_cast %mul3A_39 : i32 to index
      %swap3A_41 = tpu.vector_load %arg14[%swap3A_40] {strides = array<i32>} : memref<2048xi32, #tpu.memory_space<vmem>>, vector<16xi32>,
      tpu.vector_store %arg14[%swap3A_40], %broadcast_in_dim3A_37 {strides = array<i32>} : memref<2048xi32, #tpu.memory_space<vmem>>, vector<16xi32>,
    }
    %scan3A_6 = arith.constant 128 : i32
    %scan3A_7 = arith.constant 0 : i32
    %scan3A_8 = arith.constant 0 : i32
    %scan3A_9 = arith.constant 512 : i32
    %scan3A_10 = arith.addi %scan3A_8, %scan3A_9 : i32
    %scan3A_11 = arith.constant 1 : i32
    %scan3A_12 = scf.for %scan3A_31 = %scan3A_8 to %scan3A_10 step %scan3A_11 iter_args(%scan3A_32 = %scan3A_7) -> (i32)  : i32 {
      %mul3A_33 = arith.constant 16 : i32
      %mul3A_34 = arith.muli %scan3A_31, %mul3A_33 : i32
      %get3A_35 = arith.index_cast %mul3A_34 : i32 to index
      %get3A_36 = tpu.vector_load %arg8[%get3A_35] {strides = array<i32>} : memref<8192xf32, #tpu.memory_space<vmem>>, vector<16xf32>,
      %ge3A = arith.cmpf oge, %get3A_36, %get3A_1 : vector<16xf32>
      %mul3A_37 = arith.constant 16 : i32
      %mul3A_38 = arith.muli %scan3A_31, %mul3A_37 : i32
      %add3A_39 = vector.broadcast %mul3A_38 : i32 to vector<16xi32>
      %add3A_40 = arith.addi %iota3A, %add3A_39 : vector<16xi32>
      %min3A_41 = arith.constant 1008 : i32
      %min3A_42 = arith.minsi %scan3A_32, %min3A_41 : i32
      %swap3A = arith.index_cast %min3A_42 : i32 to index
      %swap3A_43 = tpu.vector_load %arg10[%swap3A] masked %ge3A {strides = array<i32>} : memref<1024xi32, #tpu.memory_space<vmem>>, vector<16xi32>, vector<16xi1>
      tpu.vector_store %arg10[%swap3A], %add3A_40 masked %ge3A {strides = array<i32>} : memref<1024xi32, #tpu.memory_space<vmem>>, vector<16xi32>, vector<16xi1>
      %convert_element_type3A = arith.extui %ge3A : vector<16xi1> to vector<16xi32>
      %reduce_sum3A = arith.constant true
      %reduce_sum3A_44 = vector.broadcast %reduce_sum3A : i1 to vector<16xi1>
      %reduce_sum3A_45 = tpu.scan <sum>, %convert_element_type3A masked %reduce_sum3A_44 : vector<16xi32>, vector<16xi1> -> vector<16xi32>
      %reduce_sum3A_46 = vector.extract %reduce_sum3A_45[15] : i32 from vector<16xi32>
      %add3A_47 = arith.addi %scan3A_32, %reduce_sum3A_46 : i32
      scf.yield %add3A_47 : i32
    }
    %scan3A_13 = arith.constant 512 : i32
    %min3A = arith.constant 1024 : i32
    %min3A_14 = arith.minsi %scan3A_12, %min3A : i32
    %add3A_15 = arith.constant 15 : i32
    %add3A_16 = arith.addi %min3A_14, %add3A_15 : i32
    %shift_right_arithmetic3A = arith.constant 4 : i32
    %shift_right_arithmetic3A_17 = arith.shrsi %add3A_16, %shift_right_arithmetic3A : i32
    %mul3A_18 = arith.constant 62976 : i32
    %mul3A_19 = arith.muli %add3A, %mul3A_18 : i32
    %while3A = arith.constant 0 : i32
    %while3A_20 = arith.constant 0 : i32
    %while3A_21 = arith.subi %shift_right_arithmetic3A_17, %while3A : i32
    %while3A_22 = arith.addi %while3A, %while3A_21 : i32
    %while3A_23 = arith.constant 1 : i32
    %while3A_24 = arith.divsi %while3A_21, %while3A_23 : i32
    %while3A_25 = arith.muli %while3A_24, %while3A_23 : i32
    %while3A_26 = arith.addi %while3A, %while3A_25 : i32
    %while3A_27 = arith.constant 1 : i32
    %while3A_28 = scf.for %while3A_31 = %while3A to %while3A_26 step %while3A_27 iter_args(%while3A_32 = %while3A_20) -> (i32)  : i32 {
      %mul3A_33 = arith.constant 16 : i32
      %mul3A_34 = arith.muli %while3A_31, %mul3A_33 : i32
      %get3A_35 = arith.index_cast %mul3A_34 : i32 to index
      %get3A_36 = tpu.vector_load %arg10[%get3A_35] {strides = array<i32>} : memref<1024xi32, #tpu.memory_space<vmem>>, vector<16xi32>,
      %mul3A_37 = arith.constant 16 : i32
      %mul3A_38 = arith.muli %while3A_31, %mul3A_37 : i32
      %add3A_39 = vector.broadcast %mul3A_38 : i32 to vector<16xi32>
      %add3A_40 = arith.addi %iota3A, %add3A_39 : vector<16xi32>
      %broadcast_in_dim3A = vector.broadcast %min3A_14 : i32 to vector<16xi32>
      %lt3A = arith.cmpi slt, %add3A_40, %broadcast_in_dim3A : vector<16xi32>
      %jit3A = arith.constant 0 : i32
      %broadcast_in_dim3A_41 = vector.broadcast %jit3A : i32 to vector<16xi32>
      %select_n3A = arith.select %lt3A, %get3A_36, %broadcast_in_dim3A_41 : vector<16xi1>, vector<16xi32>
      %and3A = arith.constant 15 : i32
      %and3A_42 = vector.broadcast %and3A : i32 to vector<16xi32>
      %and3A_43 = arith.andi %select_n3A, %and3A_42 : vector<16xi32>
      %scan3A_44 = arith.constant 0 : i32
      %scan3A_45 = arith.constant 0 : i32
      %scan3A_46 = arith.constant 16 : i32
      %scan3A_47 = arith.addi %scan3A_45, %scan3A_46 : i32
      %scan3A_48 = arith.constant 1 : i32
      scf.for %scan3A_56 = %scan3A_45 to %scan3A_47 step %scan3A_48  : i32 {
        %mul3A_57 = arith.constant 8 : i32
        %mul3A_58 = arith.muli %scan3A_56, %mul3A_57 : i32
        %add3A_59 = arith.constant 0 : i32
        %add3A_60 = arith.addi %mul3A_58, %add3A_59 : i32
        %lt3A_61 = arith.constant 123 : i32
        %lt3A_62 = arith.cmpi slt, %add3A_60, %lt3A_61 : i32
        %mul3A_63 = arith.constant 8192 : i32
        %mul3A_64 = arith.muli %add3A_60, %mul3A_63 : i32
        %add3A_65 = vector.broadcast %mul3A_64 : i32 to vector<16xi32>
        %add3A_66 = arith.addi %select_n3A, %add3A_65 : vector<16xi32>
        %shift_right_arithmetic3A_67 = arith.constant 4 : i32
        %shift_right_arithmetic3A_68 = vector.broadcast %shift_right_arithmetic3A_67 : i32 to vector<16xi32>
        %shift_right_arithmetic3A_69 = arith.shrsi %add3A_66, %shift_right_arithmetic3A_68 : vector<16xi32>
        %add3A_70 = vector.broadcast %mul3A_19 : i32 to vector<16xi32>
        %add3A_71 = arith.addi %add3A_70, %shift_right_arithmetic3A_69 : vector<16xi32>
        %jit3A_72 = arith.constant 0 : i32
        %broadcast_in_dim3A_73 = vector.broadcast %jit3A_72 : i32 to vector<16xi32>
        %select_n3A_74 = arith.select %lt3A_62, %add3A_71, %broadcast_in_dim3A_73 : vector<16xi32>
        %swap3A = arith.index_cast %scan3A_56 : i32 to index
        %swap3A_75 = arith.constant 0 : index
        %swap3A_76 = tpu.vector_load %arg11[%swap3A, %swap3A_75] {strides = array<i32>} : memref<16x128xi32, #tpu.memory_space<vmem>>, vector<16xi32>,
        tpu.vector_store %arg11[%swap3A, %swap3A_75], %select_n3A_74 {strides = array<i32>} : memref<16x128xi32, #tpu.memory_space<vmem>>, vector<16xi32>,
        %mul3A_77 = arith.constant 8 : i32
        %mul3A_78 = arith.muli %scan3A_56, %mul3A_77 : i32
        %add3A_79 = arith.constant 1 : i32
        %add3A_80 = arith.addi %mul3A_78, %add3A_79 : i32
        %lt3A_81 = arith.constant 123 : i32
        %lt3A_82 = arith.cmpi slt, %add3A_80, %lt3A_81 : i32
        %mul3A_83 = arith.constant 8192 : i32
        %mul3A_84 = arith.muli %add3A_80, %mul3A_83 : i32
        %add3A_85 = vector.broadcast %mul3A_84 : i32 to vector<16xi32>
        %add3A_86 = arith.addi %select_n3A, %add3A_85 : vector<16xi32>
        %shift_right_arithmetic3A_87 = arith.constant 4 : i32
        %shift_right_arithmetic3A_88 = vector.broadcast %shift_right_arithmetic3A_87 : i32 to vector<16xi32>
        %shift_right_arithmetic3A_89 = arith.shrsi %add3A_86, %shift_right_arithmetic3A_88 : vector<16xi32>
        %add3A_90 = vector.broadcast %mul3A_19 : i32 to vector<16xi32>
        %add3A_91 = arith.addi %add3A_90, %shift_right_arithmetic3A_89 : vector<16xi32>
        %jit3A_92 = arith.constant 0 : i32
        %broadcast_in_dim3A_93 = vector.broadcast %jit3A_92 : i32 to vector<16xi32>
        %select_n3A_94 = arith.select %lt3A_82, %add3A_91, %broadcast_in_dim3A_93 : vector<16xi32>
        %swap3A_95 = arith.index_cast %scan3A_56 : i32 to index
        %swap3A_96 = arith.constant 16 : index
        %swap3A_97 = tpu.vector_load %arg11[%swap3A_95, %swap3A_96] {strides = array<i32>} : memref<16x128xi32, #tpu.memory_space<vmem>>, vector<16xi32>,
        tpu.vector_store %arg11[%swap3A_95, %swap3A_96], %select_n3A_94 {strides = array<i32>} : memref<16x128xi32, #tpu.memory_space<vmem>>, vector<16xi32>,
        %mul3A_98 = arith.constant 8 : i32
        %mul3A_99 = arith.muli %scan3A_56, %mul3A_98 : i32
        %add3A_100 = arith.constant 2 : i32
        %add3A_101 = arith.addi %mul3A_99, %add3A_100 : i32
        %lt3A_102 = arith.constant 123 : i32
        %lt3A_103 = arith.cmpi slt, %add3A_101, %lt3A_102 : i32
        %mul3A_104 = arith.constant 8192 : i32
        %mul3A_105 = arith.muli %add3A_101, %mul3A_104 : i32
        %add3A_106 = vector.broadcast %mul3A_105 : i32 to vector<16xi32>
        %add3A_107 = arith.addi %select_n3A, %add3A_106 : vector<16xi32>
        %shift_right_arithmetic3A_108 = arith.constant 4 : i32
        %shift_right_arithmetic3A_109 = vector.broadcast %shift_right_arithmetic3A_108 : i32 to vector<16xi32>
        %shift_right_arithmetic3A_110 = arith.shrsi %add3A_107, %shift_right_arithmetic3A_109 : vector<16xi32>
        %add3A_111 = vector.broadcast %mul3A_19 : i32 to vector<16xi32>
        %add3A_112 = arith.addi %add3A_111, %shift_right_arithmetic3A_110 : vector<16xi32>
        %jit3A_113 = arith.constant 0 : i32
        %broadcast_in_dim3A_114 = vector.broadcast %jit3A_113 : i32 to vector<16xi32>
        %select_n3A_115 = arith.select %lt3A_103, %add3A_112, %broadcast_in_dim3A_114 : vector<16xi32>
        %swap3A_116 = arith.index_cast %scan3A_56 : i32 to index
        %swap3A_117 = arith.constant 32 : index
        %swap3A_118 = tpu.vector_load %arg11[%swap3A_116, %swap3A_117] {strides = array<i32>} : memref<16x128xi32, #tpu.memory_space<vmem>>, vector<16xi32>,
        tpu.vector_store %arg11[%swap3A_116, %swap3A_117], %select_n3A_115 {strides = array<i32>} : memref<16x128xi32, #tpu.memory_space<vmem>>, vector<16xi32>,
        %mul3A_119 = arith.constant 8 : i32
        %mul3A_120 = arith.muli %scan3A_56, %mul3A_119 : i32
        %add3A_121 = arith.constant 3 : i32
        %add3A_122 = arith.addi %mul3A_120, %add3A_121 : i32
        %lt3A_123 = arith.constant 123 : i32
        %lt3A_124 = arith.cmpi slt, %add3A_122, %lt3A_123 : i32
        %mul3A_125 = arith.constant 8192 : i32
        %mul3A_126 = arith.muli %add3A_122, %mul3A_125 : i32
        %add3A_127 = vector.broadcast %mul3A_126 : i32 to vector<16xi32>
        %add3A_128 = arith.addi %select_n3A, %add3A_127 : vector<16xi32>
        %shift_right_arithmetic3A_129 = arith.constant 4 : i32
        %shift_right_arithmetic3A_130 = vector.broadcast %shift_right_arithmetic3A_129 : i32 to vector<16xi32>
        %shift_right_arithmetic3A_131 = arith.shrsi %add3A_128, %shift_right_arithmetic3A_130 : vector<16xi32>
        %add3A_132 = vector.broadcast %mul3A_19 : i32 to vector<16xi32>
        %add3A_133 = arith.addi %add3A_132, %shift_right_arithmetic3A_131 : vector<16xi32>
        %jit3A_134 = arith.constant 0 : i32
        %broadcast_in_dim3A_135 = vector.broadcast %jit3A_134 : i32 to vector<16xi32>
        %select_n3A_136 = arith.select %lt3A_124, %add3A_133, %broadcast_in_dim3A_135 : vector<16xi32>
        %swap3A_137 = arith.index_cast %scan3A_56 : i32 to index
        %swap3A_138 = arith.constant 48 : index
        %swap3A_139 = tpu.vector_load %arg11[%swap3A_137, %swap3A_138] {strides = array<i32>} : memref<16x128xi32, #tpu.memory_space<vmem>>, vector<16xi32>,
        tpu.vector_store %arg11[%swap3A_137, %swap3A_138], %select_n3A_136 {strides = array<i32>} : memref<16x128xi32, #tpu.memory_space<vmem>>, vector<16xi32>,
        %mul3A_140 = arith.constant 8 : i32
        %mul3A_141 = arith.muli %scan3A_56, %mul3A_140 : i32
        %add3A_142 = arith.constant 4 : i32
        %add3A_143 = arith.addi %mul3A_141, %add3A_142 : i32
        %lt3A_144 = arith.constant 123 : i32
        %lt3A_145 = arith.cmpi slt, %add3A_143, %lt3A_144 : i32
        %mul3A_146 = arith.constant 8192 : i32
        %mul3A_147 = arith.muli %add3A_143, %mul3A_146 : i32
        %add3A_148 = vector.broadcast %mul3A_147 : i32 to vector<16xi32>
        %add3A_149 = arith.addi %select_n3A, %add3A_148 : vector<16xi32>
        %shift_right_arithmetic3A_150 = arith.constant 4 : i32
        %shift_right_arithmetic3A_151 = vector.broadcast %shift_right_arithmetic3A_150 : i32 to vector<16xi32>
        %shift_right_arithmetic3A_152 = arith.shrsi %add3A_149, %shift_right_arithmetic3A_151 : vector<16xi32>
        %add3A_153 = vector.broadcast %mul3A_19 : i32 to vector<16xi32>
        %add3A_154 = arith.addi %add3A_153, %shift_right_arithmetic3A_152 : vector<16xi32>
        %jit3A_155 = arith.constant 0 : i32
        %broadcast_in_dim3A_156 = vector.broadcast %jit3A_155 : i32 to vector<16xi32>
        %select_n3A_157 = arith.select %lt3A_145, %add3A_154, %broadcast_in_dim3A_156 : vector<16xi32>
        %swap3A_158 = arith.index_cast %scan3A_56 : i32 to index
        %swap3A_159 = arith.constant 64 : index
        %swap3A_160 = tpu.vector_load %arg11[%swap3A_158, %swap3A_159] {strides = array<i32>} : memref<16x128xi32, #tpu.memory_space<vmem>>, vector<16xi32>,
        tpu.vector_store %arg11[%swap3A_158, %swap3A_159], %select_n3A_157 {strides = array<i32>} : memref<16x128xi32, #tpu.memory_space<vmem>>, vector<16xi32>,
        %mul3A_161 = arith.constant 8 : i32
        %mul3A_162 = arith.muli %scan3A_56, %mul3A_161 : i32
        %add3A_163 = arith.constant 5 : i32
        %add3A_164 = arith.addi %mul3A_162, %add3A_163 : i32
        %lt3A_165 = arith.constant 123 : i32
        %lt3A_166 = arith.cmpi slt, %add3A_164, %lt3A_165 : i32
        %mul3A_167 = arith.constant 8192 : i32
        %mul3A_168 = arith.muli %add3A_164, %mul3A_167 : i32
        %add3A_169 = vector.broadcast %mul3A_168 : i32 to vector<16xi32>
        %add3A_170 = arith.addi %select_n3A, %add3A_169 : vector<16xi32>
        %shift_right_arithmetic3A_171 = arith.constant 4 : i32
        %shift_right_arithmetic3A_172 = vector.broadcast %shift_right_arithmetic3A_171 : i32 to vector<16xi32>
        %shift_right_arithmetic3A_173 = arith.shrsi %add3A_170, %shift_right_arithmetic3A_172 : vector<16xi32>
        %add3A_174 = vector.broadcast %mul3A_19 : i32 to vector<16xi32>
        %add3A_175 = arith.addi %add3A_174, %shift_right_arithmetic3A_173 : vector<16xi32>
        %jit3A_176 = arith.constant 0 : i32
        %broadcast_in_dim3A_177 = vector.broadcast %jit3A_176 : i32 to vector<16xi32>
        %select_n3A_178 = arith.select %lt3A_166, %add3A_175, %broadcast_in_dim3A_177 : vector<16xi32>
        %swap3A_179 = arith.index_cast %scan3A_56 : i32 to index
        %swap3A_180 = arith.constant 80 : index
        %swap3A_181 = tpu.vector_load %arg11[%swap3A_179, %swap3A_180] {strides = array<i32>} : memref<16x128xi32, #tpu.memory_space<vmem>>, vector<16xi32>,
        tpu.vector_store %arg11[%swap3A_179, %swap3A_180], %select_n3A_178 {strides = array<i32>} : memref<16x128xi32, #tpu.memory_space<vmem>>, vector<16xi32>,
        %mul3A_182 = arith.constant 8 : i32
        %mul3A_183 = arith.muli %scan3A_56, %mul3A_182 : i32
        %add3A_184 = arith.constant 6 : i32
        %add3A_185 = arith.addi %mul3A_183, %add3A_184 : i32
        %lt3A_186 = arith.constant 123 : i32
        %lt3A_187 = arith.cmpi slt, %add3A_185, %lt3A_186 : i32
        %mul3A_188 = arith.constant 8192 : i32
        %mul3A_189 = arith.muli %add3A_185, %mul3A_188 : i32
        %add3A_190 = vector.broadcast %mul3A_189 : i32 to vector<16xi32>
        %add3A_191 = arith.addi %select_n3A, %add3A_190 : vector<16xi32>
        %shift_right_arithmetic3A_192 = arith.constant 4 : i32
        %shift_right_arithmetic3A_193 = vector.broadcast %shift_right_arithmetic3A_192 : i32 to vector<16xi32>
        %shift_right_arithmetic3A_194 = arith.shrsi %add3A_191, %shift_right_arithmetic3A_193 : vector<16xi32>
        %add3A_195 = vector.broadcast %mul3A_19 : i32 to vector<16xi32>
        %add3A_196 = arith.addi %add3A_195, %shift_right_arithmetic3A_194 : vector<16xi32>
        %jit3A_197 = arith.constant 0 : i32
        %broadcast_in_dim3A_198 = vector.broadcast %jit3A_197 : i32 to vector<16xi32>
        %select_n3A_199 = arith.select %lt3A_187, %add3A_196, %broadcast_in_dim3A_198 : vector<16xi32>
        %swap3A_200 = arith.index_cast %scan3A_56 : i32 to index
        %swap3A_201 = arith.constant 96 : index
        %swap3A_202 = tpu.vector_load %arg11[%swap3A_200, %swap3A_201] {strides = array<i32>} : memref<16x128xi32, #tpu.memory_space<vmem>>, vector<16xi32>,
        tpu.vector_store %arg11[%swap3A_200, %swap3A_201], %select_n3A_199 {strides = array<i32>} : memref<16x128xi32, #tpu.memory_space<vmem>>, vector<16xi32>,
        %mul3A_203 = arith.constant 8 : i32
        %mul3A_204 = arith.muli %scan3A_56, %mul3A_203 : i32
        %add3A_205 = arith.constant 7 : i32
        %add3A_206 = arith.addi %mul3A_204, %add3A_205 : i32
        %lt3A_207 = arith.constant 123 : i32
        %lt3A_208 = arith.cmpi slt, %add3A_206, %lt3A_207 : i32
        %mul3A_209 = arith.constant 8192 : i32
        %mul3A_210 = arith.muli %add3A_206, %mul3A_209 : i32
        %add3A_211 = vector.broadcast %mul3A_210 : i32 to vector<16xi32>
        %add3A_212 = arith.addi %select_n3A, %add3A_211 : vector<16xi32>
        %shift_right_arithmetic3A_213 = arith.constant 4 : i32
        %shift_right_arithmetic3A_214 = vector.broadcast %shift_right_arithmetic3A_213 : i32 to vector<16xi32>
        %shift_right_arithmetic3A_215 = arith.shrsi %add3A_212, %shift_right_arithmetic3A_214 : vector<16xi32>
        %add3A_216 = vector.broadcast %mul3A_19 : i32 to vector<16xi32>
        %add3A_217 = arith.addi %add3A_216, %shift_right_arithmetic3A_215 : vector<16xi32>
        %jit3A_218 = arith.constant 0 : i32
        %broadcast_in_dim3A_219 = vector.broadcast %jit3A_218 : i32 to vector<16xi32>
        %select_n3A_220 = arith.select %lt3A_208, %add3A_217, %broadcast_in_dim3A_219 : vector<16xi32>
        %swap3A_221 = arith.index_cast %scan3A_56 : i32 to index
        %swap3A_222 = arith.constant 112 : index
        %swap3A_223 = tpu.vector_load %arg11[%swap3A_221, %swap3A_222] {strides = array<i32>} : memref<16x128xi32, #tpu.memory_space<vmem>>, vector<16xi32>,
        tpu.vector_store %arg11[%swap3A_221, %swap3A_222], %select_n3A_220 {strides = array<i32>} : memref<16x128xi32, #tpu.memory_space<vmem>>, vector<16xi32>,
        %dma_start3A = arith.constant 0 : i32
        %dma_start3A_224 = arith.constant 0 : i32
        %dma_start3A_225 = tpu.memref_slice %arg12[%scan3A_56, %dma_start3A, %dma_start3A_224] : memref<16x128x16xf32, #tpu.memory_space<vmem>> -> memref<1x128x16xf32, #tpu.memory_space<vmem>>
        %dma_start3A_226 = tpu.memref_squeeze %dma_start3A_225 : memref<1x128x16xf32, #tpu.memory_space<vmem>> -> memref<128x16xf32, #tpu.memory_space<vmem>>
        %dma_start3A_227 = arith.constant 0 : i32
        %dma_start3A_228 = tpu.memref_slice %arg11[%scan3A_56, %dma_start3A_227] : memref<16x128xi32, #tpu.memory_space<vmem>> -> memref<1x128xi32, #tpu.memory_space<vmem>>
        %dma_start3A_229 = tpu.memref_squeeze %dma_start3A_228 : memref<1x128xi32, #tpu.memory_space<vmem>> -> memref<128xi32, #tpu.memory_space<vmem>>
        %dma_start3A_230 = arith.constant 0 : i32
        %dma_start3A_231 = arith.constant 0 : i32
        %dma_start3A_232 = tpu.memref_slice %arg2[%dma_start3A_230, %dma_start3A_231] : memref<2015232x16xf32, #tpu.memory_space<hbm>> -> memref<2015232x16xf32, #tpu.memory_space<hbm>>
        tpu.enqueue_indirect_dma source(%dma_start3A_232 : memref<2015232x16xf32, #tpu.memory_space<hbm>>) target(%dma_start3A_226 : memref<128x16xf32, #tpu.memory_space<vmem>>) offsets(%dma_start3A_229 : memref<128xi32, #tpu.memory_space<vmem>>) semaphore(%arg15 : memref<!tpu.dma_semaphore, #tpu.memory_space<semaphore_mem>>)
      }
      %scan3A_49 = arith.constant 16 : i32
      tpu.wait_dma2 semaphore(%arg15 : memref<!tpu.dma_semaphore, #tpu.memory_space<semaphore_mem>>) src(%arg5 : memref<16x128x16xf32, #tpu.memory_space<hbm>>) dst(%arg12 : memref<16x128x16xf32, #tpu.memory_space<vmem>>)
      %scan3A_50 = arith.constant 0 : i32
      %scan3A_51 = arith.constant 123 : i32
      %scan3A_52 = arith.addi %scan3A_50, %scan3A_51 : i32
      %scan3A_53 = arith.constant 1 : i32
      %scan3A_54 = scf.for %scan3A_56 = %scan3A_50 to %scan3A_52 step %scan3A_53 iter_args(%scan3A_57 = %while3A_32) -> (i32)  : i32 {
        %shift_right_arithmetic3A_58 = arith.constant 3 : i32
        %shift_right_arithmetic3A_59 = arith.shrsi %scan3A_56, %shift_right_arithmetic3A_58 : i32
        %and3A_60 = arith.constant 7 : i32
        %and3A_61 = arith.andi %scan3A_56, %and3A_60 : i32
        %shift_left3A = arith.constant 4 : i32
        %shift_left3A_62 = arith.shli %and3A_61, %shift_left3A : i32
        %add3A_63 = vector.broadcast %shift_left3A_62 : i32 to vector<16xi32>
        %add3A_64 = arith.addi %add3A_63, %iota3A : vector<16xi32>
        %gather3A = arith.constant 0 : i32
        %gather3A_65 = arith.constant 0 : i32
        %gather3A_66 = tpu.memref_slice %arg12[%shift_right_arithmetic3A_59, %gather3A, %gather3A_65] : memref<16x128x16xf32, #tpu.memory_space<vmem>> -> memref<1x128x16xf32, #tpu.memory_space<vmem>>
        %gather3A_67 = tpu.memref_squeeze %gather3A_66 : memref<1x128x16xf32, #tpu.memory_space<vmem>> -> memref<128x16xf32, #tpu.memory_space<vmem>>
        %gather3A_68 = tpu.vector_load_idx %gather3A_67[%add3A_64, %and3A_43] : memref<128x16xf32, #tpu.memory_space<vmem>>[vector<16xi32>, vector<16xi32>], vector<16xf32>,
        %mul3A_69 = arith.constant 8192 : i32
        %mul3A_70 = arith.muli %scan3A_56, %mul3A_69 : i32
        %add3A_71 = vector.broadcast %mul3A_70 : i32 to vector<16xi32>
        %add3A_72 = arith.addi %select_n3A, %add3A_71 : vector<16xi32>
        %ge3A = arith.cmpf oge, %gather3A_68, %get3A_1 : vector<16xf32>
        %and3A_73 = arith.andi %ge3A, %lt3A : vector<16xi1>
        %min3A_74 = arith.constant 2032 : i32
        %min3A_75 = arith.minsi %scan3A_57, %min3A_74 : i32
        %swap3A = arith.index_cast %min3A_75 : i32 to index
        %swap3A_76 = tpu.vector_load %arg13[%swap3A] masked %and3A_73 {strides = array<i32>} : memref<2048xf32, #tpu.memory_space<vmem>>, vector<16xf32>, vector<16xi1>
        tpu.vector_store %arg13[%swap3A], %gather3A_68 masked %and3A_73 {strides = array<i32>} : memref<2048xf32, #tpu.memory_space<vmem>>, vector<16xf32>, vector<16xi1>
        %swap3A_77 = arith.index_cast %min3A_75 : i32 to index
        %swap3A_78 = tpu.vector_load %arg14[%swap3A_77] masked %and3A_73 {strides = array<i32>} : memref<2048xi32, #tpu.memory_space<vmem>>, vector<16xi32>, vector<16xi1>
        tpu.vector_store %arg14[%swap3A_77], %add3A_72 masked %and3A_73 {strides = array<i32>} : memref<2048xi32, #tpu.memory_space<vmem>>, vector<16xi32>, vector<16xi1>
        %convert_element_type3A = arith.extui %and3A_73 : vector<16xi1> to vector<16xi32>
        %reduce_sum3A = arith.constant true
        %reduce_sum3A_79 = vector.broadcast %reduce_sum3A : i1 to vector<16xi1>
        %reduce_sum3A_80 = tpu.scan <sum>, %convert_element_type3A masked %reduce_sum3A_79 : vector<16xi32>, vector<16xi1> -> vector<16xi32>
        %reduce_sum3A_81 = vector.extract %reduce_sum3A_80[15] : i32 from vector<16xi32>
        %add3A_82 = arith.addi %scan3A_57, %reduce_sum3A_81 : i32
        scf.yield %add3A_82 : i32
      }
      %scan3A_55 = arith.constant 123 : i32
      scf.yield %scan3A_54 : i32
    }
    %while3A_29 = arith.constant 1 : i32
    %while3A_30 = scf.for %while3A_31 = %while3A_26 to %while3A_22 step %while3A_29 iter_args(%while3A_32 = %while3A_28) -> (i32)  : i32 {
      %mul3A_33 = arith.constant 16 : i32
      %mul3A_34 = arith.muli %while3A_31, %mul3A_33 : i32
      %get3A_35 = arith.index_cast %mul3A_34 : i32 to index
      %get3A_36 = tpu.vector_load %arg10[%get3A_35] {strides = array<i32>} : memref<1024xi32, #tpu.memory_space<vmem>>, vector<16xi32>,
      %mul3A_37 = arith.constant 16 : i32
      %mul3A_38 = arith.muli %while3A_31, %mul3A_37 : i32
      %add3A_39 = vector.broadcast %mul3A_38 : i32 to vector<16xi32>
      %add3A_40 = arith.addi %iota3A, %add3A_39 : vector<16xi32>
      %broadcast_in_dim3A = vector.broadcast %min3A_14 : i32 to vector<16xi32>
      %lt3A = arith.cmpi slt, %add3A_40, %broadcast_in_dim3A : vector<16xi32>
      %jit3A = arith.constant 0 : i32
      %broadcast_in_dim3A_41 = vector.broadcast %jit3A : i32 to vector<16xi32>
      %select_n3A = arith.select %lt3A, %get3A_36, %broadcast_in_dim3A_41 : vector<16xi1>, vector<16xi32>
      %and3A = arith.constant 15 : i32
      %and3A_42 = vector.broadcast %and3A : i32 to vector<16xi32>
      %and3A_43 = arith.andi %select_n3A, %and3A_42 : vector<16xi32>
      %scan3A_44 = arith.constant 0 : i32
      %scan3A_45 = arith.constant 0 : i32
      %scan3A_46 = arith.constant 16 : i32
      %scan3A_47 = arith.addi %scan3A_45, %scan3A_46 : i32
      %scan3A_48 = arith.constant 1 : i32
      scf.for %scan3A_56 = %scan3A_45 to %scan3A_47 step %scan3A_48  : i32 {
        %mul3A_57 = arith.constant 8 : i32
        %mul3A_58 = arith.muli %scan3A_56, %mul3A_57 : i32
        %add3A_59 = arith.constant 0 : i32
        %add3A_60 = arith.addi %mul3A_58, %add3A_59 : i32
        %lt3A_61 = arith.constant 123 : i32
        %lt3A_62 = arith.cmpi slt, %add3A_60, %lt3A_61 : i32
        %mul3A_63 = arith.constant 8192 : i32
        %mul3A_64 = arith.muli %add3A_60, %mul3A_63 : i32
        %add3A_65 = vector.broadcast %mul3A_64 : i32 to vector<16xi32>
        %add3A_66 = arith.addi %select_n3A, %add3A_65 : vector<16xi32>
        %shift_right_arithmetic3A_67 = arith.constant 4 : i32
        %shift_right_arithmetic3A_68 = vector.broadcast %shift_right_arithmetic3A_67 : i32 to vector<16xi32>
        %shift_right_arithmetic3A_69 = arith.shrsi %add3A_66, %shift_right_arithmetic3A_68 : vector<16xi32>
        %add3A_70 = vector.broadcast %mul3A_19 : i32 to vector<16xi32>
        %add3A_71 = arith.addi %add3A_70, %shift_right_arithmetic3A_69 : vector<16xi32>
        %jit3A_72 = arith.constant 0 : i32
        %broadcast_in_dim3A_73 = vector.broadcast %jit3A_72 : i32 to vector<16xi32>
        %select_n3A_74 = arith.select %lt3A_62, %add3A_71, %broadcast_in_dim3A_73 : vector<16xi32>
        %swap3A = arith.index_cast %scan3A_56 : i32 to index
        %swap3A_75 = arith.constant 0 : index
        %swap3A_76 = tpu.vector_load %arg11[%swap3A, %swap3A_75] {strides = array<i32>} : memref<16x128xi32, #tpu.memory_space<vmem>>, vector<16xi32>,
        tpu.vector_store %arg11[%swap3A, %swap3A_75], %select_n3A_74 {strides = array<i32>} : memref<16x128xi32, #tpu.memory_space<vmem>>, vector<16xi32>,
        %mul3A_77 = arith.constant 8 : i32
        %mul3A_78 = arith.muli %scan3A_56, %mul3A_77 : i32
        %add3A_79 = arith.constant 1 : i32
        %add3A_80 = arith.addi %mul3A_78, %add3A_79 : i32
        %lt3A_81 = arith.constant 123 : i32
        %lt3A_82 = arith.cmpi slt, %add3A_80, %lt3A_81 : i32
        %mul3A_83 = arith.constant 8192 : i32
        %mul3A_84 = arith.muli %add3A_80, %mul3A_83 : i32
        %add3A_85 = vector.broadcast %mul3A_84 : i32 to vector<16xi32>
        %add3A_86 = arith.addi %select_n3A, %add3A_85 : vector<16xi32>
        %shift_right_arithmetic3A_87 = arith.constant 4 : i32
        %shift_right_arithmetic3A_88 = vector.broadcast %shift_right_arithmetic3A_87 : i32 to vector<16xi32>
        %shift_right_arithmetic3A_89 = arith.shrsi %add3A_86, %shift_right_arithmetic3A_88 : vector<16xi32>
        %add3A_90 = vector.broadcast %mul3A_19 : i32 to vector<16xi32>
        %add3A_91 = arith.addi %add3A_90, %shift_right_arithmetic3A_89 : vector<16xi32>
        %jit3A_92 = arith.constant 0 : i32
        %broadcast_in_dim3A_93 = vector.broadcast %jit3A_92 : i32 to vector<16xi32>
        %select_n3A_94 = arith.select %lt3A_82, %add3A_91, %broadcast_in_dim3A_93 : vector<16xi32>
        %swap3A_95 = arith.index_cast %scan3A_56 : i32 to index
        %swap3A_96 = arith.constant 16 : index
        %swap3A_97 = tpu.vector_load %arg11[%swap3A_95, %swap3A_96] {strides = array<i32>} : memref<16x128xi32, #tpu.memory_space<vmem>>, vector<16xi32>,
        tpu.vector_store %arg11[%swap3A_95, %swap3A_96], %select_n3A_94 {strides = array<i32>} : memref<16x128xi32, #tpu.memory_space<vmem>>, vector<16xi32>,
        %mul3A_98 = arith.constant 8 : i32
        %mul3A_99 = arith.muli %scan3A_56, %mul3A_98 : i32
        %add3A_100 = arith.constant 2 : i32
        %add3A_101 = arith.addi %mul3A_99, %add3A_100 : i32
        %lt3A_102 = arith.constant 123 : i32
        %lt3A_103 = arith.cmpi slt, %add3A_101, %lt3A_102 : i32
        %mul3A_104 = arith.constant 8192 : i32
        %mul3A_105 = arith.muli %add3A_101, %mul3A_104 : i32
        %add3A_106 = vector.broadcast %mul3A_105 : i32 to vector<16xi32>
        %add3A_107 = arith.addi %select_n3A, %add3A_106 : vector<16xi32>
        %shift_right_arithmetic3A_108 = arith.constant 4 : i32
        %shift_right_arithmetic3A_109 = vector.broadcast %shift_right_arithmetic3A_108 : i32 to vector<16xi32>
        %shift_right_arithmetic3A_110 = arith.shrsi %add3A_107, %shift_right_arithmetic3A_109 : vector<16xi32>
        %add3A_111 = vector.broadcast %mul3A_19 : i32 to vector<16xi32>
        %add3A_112 = arith.addi %add3A_111, %shift_right_arithmetic3A_110 : vector<16xi32>
        %jit3A_113 = arith.constant 0 : i32
        %broadcast_in_dim3A_114 = vector.broadcast %jit3A_113 : i32 to vector<16xi32>
        %select_n3A_115 = arith.select %lt3A_103, %add3A_112, %broadcast_in_dim3A_114 : vector<16xi32>
        %swap3A_116 = arith.index_cast %scan3A_56 : i32 to index
        %swap3A_117 = arith.constant 32 : index
        %swap3A_118 = tpu.vector_load %arg11[%swap3A_116, %swap3A_117] {strides = array<i32>} : memref<16x128xi32, #tpu.memory_space<vmem>>, vector<16xi32>,
        tpu.vector_store %arg11[%swap3A_116, %swap3A_117], %select_n3A_115 {strides = array<i32>} : memref<16x128xi32, #tpu.memory_space<vmem>>, vector<16xi32>,
        %mul3A_119 = arith.constant 8 : i32
        %mul3A_120 = arith.muli %scan3A_56, %mul3A_119 : i32
        %add3A_121 = arith.constant 3 : i32
        %add3A_122 = arith.addi %mul3A_120, %add3A_121 : i32
        %lt3A_123 = arith.constant 123 : i32
        %lt3A_124 = arith.cmpi slt, %add3A_122, %lt3A_123 : i32
        %mul3A_125 = arith.constant 8192 : i32
        %mul3A_126 = arith.muli %add3A_122, %mul3A_125 : i32
        %add3A_127 = vector.broadcast %mul3A_126 : i32 to vector<16xi32>
        %add3A_128 = arith.addi %select_n3A, %add3A_127 : vector<16xi32>
        %shift_right_arithmetic3A_129 = arith.constant 4 : i32
        %shift_right_arithmetic3A_130 = vector.broadcast %shift_right_arithmetic3A_129 : i32 to vector<16xi32>
        %shift_right_arithmetic3A_131 = arith.shrsi %add3A_128, %shift_right_arithmetic3A_130 : vector<16xi32>
        %add3A_132 = vector.broadcast %mul3A_19 : i32 to vector<16xi32>
        %add3A_133 = arith.addi %add3A_132, %shift_right_arithmetic3A_131 : vector<16xi32>
        %jit3A_134 = arith.constant 0 : i32
        %broadcast_in_dim3A_135 = vector.broadcast %jit3A_134 : i32 to vector<16xi32>
        %select_n3A_136 = arith.select %lt3A_124, %add3A_133, %broadcast_in_dim3A_135 : vector<16xi32>
        %swap3A_137 = arith.index_cast %scan3A_56 : i32 to index
        %swap3A_138 = arith.constant 48 : index
        %swap3A_139 = tpu.vector_load %arg11[%swap3A_137, %swap3A_138] {strides = array<i32>} : memref<16x128xi32, #tpu.memory_space<vmem>>, vector<16xi32>,
        tpu.vector_store %arg11[%swap3A_137, %swap3A_138], %select_n3A_136 {strides = array<i32>} : memref<16x128xi32, #tpu.memory_space<vmem>>, vector<16xi32>,
        %mul3A_140 = arith.constant 8 : i32
        %mul3A_141 = arith.muli %scan3A_56, %mul3A_140 : i32
        %add3A_142 = arith.constant 4 : i32
        %add3A_143 = arith.addi %mul3A_141, %add3A_142 : i32
        %lt3A_144 = arith.constant 123 : i32
        %lt3A_145 = arith.cmpi slt, %add3A_143, %lt3A_144 : i32
        %mul3A_146 = arith.constant 8192 : i32
        %mul3A_147 = arith.muli %add3A_143, %mul3A_146 : i32
        %add3A_148 = vector.broadcast %mul3A_147 : i32 to vector<16xi32>
        %add3A_149 = arith.addi %select_n3A, %add3A_148 : vector<16xi32>
        %shift_right_arithmetic3A_150 = arith.constant 4 : i32
        %shift_right_arithmetic3A_151 = vector.broadcast %shift_right_arithmetic3A_150 : i32 to vector<16xi32>
        %shift_right_arithmetic3A_152 = arith.shrsi %add3A_149, %shift_right_arithmetic3A_151 : vector<16xi32>
        %add3A_153 = vector.broadcast %mul3A_19 : i32 to vector<16xi32>
        %add3A_154 = arith.addi %add3A_153, %shift_right_arithmetic3A_152 : vector<16xi32>
        %jit3A_155 = arith.constant 0 : i32
        %broadcast_in_dim3A_156 = vector.broadcast %jit3A_155 : i32 to vector<16xi32>
        %select_n3A_157 = arith.select %lt3A_145, %add3A_154, %broadcast_in_dim3A_156 : vector<16xi32>
        %swap3A_158 = arith.index_cast %scan3A_56 : i32 to index
        %swap3A_159 = arith.constant 64 : index
        %swap3A_160 = tpu.vector_load %arg11[%swap3A_158, %swap3A_159] {strides = array<i32>} : memref<16x128xi32, #tpu.memory_space<vmem>>, vector<16xi32>,
        tpu.vector_store %arg11[%swap3A_158, %swap3A_159], %select_n3A_157 {strides = array<i32>} : memref<16x128xi32, #tpu.memory_space<vmem>>, vector<16xi32>,
        %mul3A_161 = arith.constant 8 : i32
        %mul3A_162 = arith.muli %scan3A_56, %mul3A_161 : i32
        %add3A_163 = arith.constant 5 : i32
        %add3A_164 = arith.addi %mul3A_162, %add3A_163 : i32
        %lt3A_165 = arith.constant 123 : i32
        %lt3A_166 = arith.cmpi slt, %add3A_164, %lt3A_165 : i32
        %mul3A_167 = arith.constant 8192 : i32
        %mul3A_168 = arith.muli %add3A_164, %mul3A_167 : i32
        %add3A_169 = vector.broadcast %mul3A_168 : i32 to vector<16xi32>
        %add3A_170 = arith.addi %select_n3A, %add3A_169 : vector<16xi32>
        %shift_right_arithmetic3A_171 = arith.constant 4 : i32
        %shift_right_arithmetic3A_172 = vector.broadcast %shift_right_arithmetic3A_171 : i32 to vector<16xi32>
        %shift_right_arithmetic3A_173 = arith.shrsi %add3A_170, %shift_right_arithmetic3A_172 : vector<16xi32>
        %add3A_174 = vector.broadcast %mul3A_19 : i32 to vector<16xi32>
        %add3A_175 = arith.addi %add3A_174, %shift_right_arithmetic3A_173 : vector<16xi32>
        %jit3A_176 = arith.constant 0 : i32
        %broadcast_in_dim3A_177 = vector.broadcast %jit3A_176 : i32 to vector<16xi32>
        %select_n3A_178 = arith.select %lt3A_166, %add3A_175, %broadcast_in_dim3A_177 : vector<16xi32>
        %swap3A_179 = arith.index_cast %scan3A_56 : i32 to index
        %swap3A_180 = arith.constant 80 : index
        %swap3A_181 = tpu.vector_load %arg11[%swap3A_179, %swap3A_180] {strides = array<i32>} : memref<16x128xi32, #tpu.memory_space<vmem>>, vector<16xi32>,
        tpu.vector_store %arg11[%swap3A_179, %swap3A_180], %select_n3A_178 {strides = array<i32>} : memref<16x128xi32, #tpu.memory_space<vmem>>, vector<16xi32>,
        %mul3A_182 = arith.constant 8 : i32
        %mul3A_183 = arith.muli %scan3A_56, %mul3A_182 : i32
        %add3A_184 = arith.constant 6 : i32
        %add3A_185 = arith.addi %mul3A_183, %add3A_184 : i32
        %lt3A_186 = arith.constant 123 : i32
        %lt3A_187 = arith.cmpi slt, %add3A_185, %lt3A_186 : i32
        %mul3A_188 = arith.constant 8192 : i32
        %mul3A_189 = arith.muli %add3A_185, %mul3A_188 : i32
        %add3A_190 = vector.broadcast %mul3A_189 : i32 to vector<16xi32>
        %add3A_191 = arith.addi %select_n3A, %add3A_190 : vector<16xi32>
        %shift_right_arithmetic3A_192 = arith.constant 4 : i32
        %shift_right_arithmetic3A_193 = vector.broadcast %shift_right_arithmetic3A_192 : i32 to vector<16xi32>
        %shift_right_arithmetic3A_194 = arith.shrsi %add3A_191, %shift_right_arithmetic3A_193 : vector<16xi32>
        %add3A_195 = vector.broadcast %mul3A_19 : i32 to vector<16xi32>
        %add3A_196 = arith.addi %add3A_195, %shift_right_arithmetic3A_194 : vector<16xi32>
        %jit3A_197 = arith.constant 0 : i32
        %broadcast_in_dim3A_198 = vector.broadcast %jit3A_197 : i32 to vector<16xi32>
        %select_n3A_199 = arith.select %lt3A_187, %add3A_196, %broadcast_in_dim3A_198 : vector<16xi32>
        %swap3A_200 = arith.index_cast %scan3A_56 : i32 to index
        %swap3A_201 = arith.constant 96 : index
        %swap3A_202 = tpu.vector_load %arg11[%swap3A_200, %swap3A_201] {strides = array<i32>} : memref<16x128xi32, #tpu.memory_space<vmem>>, vector<16xi32>,
        tpu.vector_store %arg11[%swap3A_200, %swap3A_201], %select_n3A_199 {strides = array<i32>} : memref<16x128xi32, #tpu.memory_space<vmem>>, vector<16xi32>,
        %mul3A_203 = arith.constant 8 : i32
        %mul3A_204 = arith.muli %scan3A_56, %mul3A_203 : i32
        %add3A_205 = arith.constant 7 : i32
        %add3A_206 = arith.addi %mul3A_204, %add3A_205 : i32
        %lt3A_207 = arith.constant 123 : i32
        %lt3A_208 = arith.cmpi slt, %add3A_206, %lt3A_207 : i32
        %mul3A_209 = arith.constant 8192 : i32
        %mul3A_210 = arith.muli %add3A_206, %mul3A_209 : i32
        %add3A_211 = vector.broadcast %mul3A_210 : i32 to vector<16xi32>
        %add3A_212 = arith.addi %select_n3A, %add3A_211 : vector<16xi32>
        %shift_right_arithmetic3A_213 = arith.constant 4 : i32
        %shift_right_arithmetic3A_214 = vector.broadcast %shift_right_arithmetic3A_213 : i32 to vector<16xi32>
        %shift_right_arithmetic3A_215 = arith.shrsi %add3A_212, %shift_right_arithmetic3A_214 : vector<16xi32>
        %add3A_216 = vector.broadcast %mul3A_19 : i32 to vector<16xi32>
        %add3A_217 = arith.addi %add3A_216, %shift_right_arithmetic3A_215 : vector<16xi32>
        %jit3A_218 = arith.constant 0 : i32
        %broadcast_in_dim3A_219 = vector.broadcast %jit3A_218 : i32 to vector<16xi32>
        %select_n3A_220 = arith.select %lt3A_208, %add3A_217, %broadcast_in_dim3A_219 : vector<16xi32>
        %swap3A_221 = arith.index_cast %scan3A_56 : i32 to index
        %swap3A_222 = arith.constant 112 : index
        %swap3A_223 = tpu.vector_load %arg11[%swap3A_221, %swap3A_222] {strides = array<i32>} : memref<16x128xi32, #tpu.memory_space<vmem>>, vector<16xi32>,
        tpu.vector_store %arg11[%swap3A_221, %swap3A_222], %select_n3A_220 {strides = array<i32>} : memref<16x128xi32, #tpu.memory_space<vmem>>, vector<16xi32>,
        %dma_start3A = arith.constant 0 : i32
        %dma_start3A_224 = arith.constant 0 : i32
        %dma_start3A_225 = tpu.memref_slice %arg12[%scan3A_56, %dma_start3A, %dma_start3A_224] : memref<16x128x16xf32, #tpu.memory_space<vmem>> -> memref<1x128x16xf32, #tpu.memory_space<vmem>>
        %dma_start3A_226 = tpu.memref_squeeze %dma_start3A_225 : memref<1x128x16xf32, #tpu.memory_space<vmem>> -> memref<128x16xf32, #tpu.memory_space<vmem>>
        %dma_start3A_227 = arith.constant 0 : i32
        %dma_start3A_228 = tpu.memref_slice %arg11[%scan3A_56, %dma_start3A_227] : memref<16x128xi32, #tpu.memory_space<vmem>> -> memref<1x128xi32, #tpu.memory_space<vmem>>
        %dma_start3A_229 = tpu.memref_squeeze %dma_start3A_228 : memref<1x128xi32, #tpu.memory_space<vmem>> -> memref<128xi32, #tpu.memory_space<vmem>>
        %dma_start3A_230 = arith.constant 0 : i32
        %dma_start3A_231 = arith.constant 0 : i32
        %dma_start3A_232 = tpu.memref_slice %arg2[%dma_start3A_230, %dma_start3A_231] : memref<2015232x16xf32, #tpu.memory_space<hbm>> -> memref<2015232x16xf32, #tpu.memory_space<hbm>>
        tpu.enqueue_indirect_dma source(%dma_start3A_232 : memref<2015232x16xf32, #tpu.memory_space<hbm>>) target(%dma_start3A_226 : memref<128x16xf32, #tpu.memory_space<vmem>>) offsets(%dma_start3A_229 : memref<128xi32, #tpu.memory_space<vmem>>) semaphore(%arg15 : memref<!tpu.dma_semaphore, #tpu.memory_space<semaphore_mem>>)
      }
      %scan3A_49 = arith.constant 16 : i32
      tpu.wait_dma2 semaphore(%arg15 : memref<!tpu.dma_semaphore, #tpu.memory_space<semaphore_mem>>) src(%arg5 : memref<16x128x16xf32, #tpu.memory_space<hbm>>) dst(%arg12 : memref<16x128x16xf32, #tpu.memory_space<vmem>>)
      %scan3A_50 = arith.constant 0 : i32
      %scan3A_51 = arith.constant 123 : i32
      %scan3A_52 = arith.addi %scan3A_50, %scan3A_51 : i32
      %scan3A_53 = arith.constant 1 : i32
      %scan3A_54 = scf.for %scan3A_56 = %scan3A_50 to %scan3A_52 step %scan3A_53 iter_args(%scan3A_57 = %while3A_32) -> (i32)  : i32 {
        %shift_right_arithmetic3A_58 = arith.constant 3 : i32
        %shift_right_arithmetic3A_59 = arith.shrsi %scan3A_56, %shift_right_arithmetic3A_58 : i32
        %and3A_60 = arith.constant 7 : i32
        %and3A_61 = arith.andi %scan3A_56, %and3A_60 : i32
        %shift_left3A = arith.constant 4 : i32
        %shift_left3A_62 = arith.shli %and3A_61, %shift_left3A : i32
        %add3A_63 = vector.broadcast %shift_left3A_62 : i32 to vector<16xi32>
        %add3A_64 = arith.addi %add3A_63, %iota3A : vector<16xi32>
        %gather3A = arith.constant 0 : i32
        %gather3A_65 = arith.constant 0 : i32
        %gather3A_66 = tpu.memref_slice %arg12[%shift_right_arithmetic3A_59, %gather3A, %gather3A_65] : memref<16x128x16xf32, #tpu.memory_space<vmem>> -> memref<1x128x16xf32, #tpu.memory_space<vmem>>
        %gather3A_67 = tpu.memref_squeeze %gather3A_66 : memref<1x128x16xf32, #tpu.memory_space<vmem>> -> memref<128x16xf32, #tpu.memory_space<vmem>>
        %gather3A_68 = tpu.vector_load_idx %gather3A_67[%add3A_64, %and3A_43] : memref<128x16xf32, #tpu.memory_space<vmem>>[vector<16xi32>, vector<16xi32>], vector<16xf32>,
        %mul3A_69 = arith.constant 8192 : i32
        %mul3A_70 = arith.muli %scan3A_56, %mul3A_69 : i32
        %add3A_71 = vector.broadcast %mul3A_70 : i32 to vector<16xi32>
        %add3A_72 = arith.addi %select_n3A, %add3A_71 : vector<16xi32>
        %ge3A = arith.cmpf oge, %gather3A_68, %get3A_1 : vector<16xf32>
        %and3A_73 = arith.andi %ge3A, %lt3A : vector<16xi1>
        %min3A_74 = arith.constant 2032 : i32
        %min3A_75 = arith.minsi %scan3A_57, %min3A_74 : i32
        %swap3A = arith.index_cast %min3A_75 : i32 to index
        %swap3A_76 = tpu.vector_load %arg13[%swap3A] masked %and3A_73 {strides = array<i32>} : memref<2048xf32, #tpu.memory_space<vmem>>, vector<16xf32>, vector<16xi1>
        tpu.vector_store %arg13[%swap3A], %gather3A_68 masked %and3A_73 {strides = array<i32>} : memref<2048xf32, #tpu.memory_space<vmem>>, vector<16xf32>, vector<16xi1>
        %swap3A_77 = arith.index_cast %min3A_75 : i32 to index
        %swap3A_78 = tpu.vector_load %arg14[%swap3A_77] masked %and3A_73 {strides = array<i32>} : memref<2048xi32, #tpu.memory_space<vmem>>, vector<16xi32>, vector<16xi1>
        tpu.vector_store %arg14[%swap3A_77], %add3A_72 masked %and3A_73 {strides = array<i32>} : memref<2048xi32, #tpu.memory_space<vmem>>, vector<16xi32>, vector<16xi1>
        %convert_element_type3A = arith.extui %and3A_73 : vector<16xi1> to vector<16xi32>
        %reduce_sum3A = arith.constant true
        %reduce_sum3A_79 = vector.broadcast %reduce_sum3A : i1 to vector<16xi1>
        %reduce_sum3A_80 = tpu.scan <sum>, %convert_element_type3A masked %reduce_sum3A_79 : vector<16xi32>, vector<16xi1> -> vector<16xi32>
        %reduce_sum3A_81 = vector.extract %reduce_sum3A_80[15] : i32 from vector<16xi32>
        %add3A_82 = arith.addi %scan3A_57, %reduce_sum3A_81 : i32
        scf.yield %add3A_82 : i32
      }
      %scan3A_55 = arith.constant 123 : i32
      scf.yield %scan3A_54 : i32
    }
    "tpu.region"() ({
      %run_scoped3A = tpu.sem_alloc : memref<!tpu.dma_semaphore, #tpu.memory_space<semaphore_mem>>
      %dma_start3A = arith.constant 0 : i32
      %dma_start3A_31 = tpu.memref_slice %arg6[%add3A, %dma_start3A] : memref<32x2048xf32, #tpu.memory_space<hbm>> -> memref<1x2048xf32, #tpu.memory_space<hbm>>
      %dma_start3A_32 = tpu.memref_squeeze %dma_start3A_31 : memref<1x2048xf32, #tpu.memory_space<hbm>> -> memref<2048xf32, #tpu.memory_space<hbm>>
      %dma_start3A_33 = arith.constant 0 : i32
      %dma_start3A_34 = tpu.memref_slice %arg6[%add3A, %dma_start3A_33] : memref<32x2048xf32, #tpu.memory_space<hbm>> -> memref<1x2048xf32, #tpu.memory_space<hbm>>
      %dma_start3A_35 = tpu.memref_squeeze %dma_start3A_34 : memref<1x2048xf32, #tpu.memory_space<hbm>> -> memref<2048xf32, #tpu.memory_space<hbm>>
      tpu.enqueue_dma source(%arg13 : memref<2048xf32, #tpu.memory_space<vmem>>) target(%dma_start3A_35 : memref<2048xf32, #tpu.memory_space<hbm>>) target_semaphore(%run_scoped3A : memref<!tpu.dma_semaphore, #tpu.memory_space<semaphore_mem>>)
      %dma_wait3A = arith.constant 0 : i32
      %dma_wait3A_36 = tpu.memref_slice %arg6[%add3A, %dma_wait3A] : memref<32x2048xf32, #tpu.memory_space<hbm>> -> memref<1x2048xf32, #tpu.memory_space<hbm>>
      %dma_wait3A_37 = tpu.memref_squeeze %dma_wait3A_36 : memref<1x2048xf32, #tpu.memory_space<hbm>> -> memref<2048xf32, #tpu.memory_space<hbm>>
      %dma_wait3A_38 = arith.constant 0 : i32
      %dma_wait3A_39 = tpu.memref_slice %arg6[%add3A, %dma_wait3A_38] : memref<32x2048xf32, #tpu.memory_space<hbm>> -> memref<1x2048xf32, #tpu.memory_space<hbm>>
      %dma_wait3A_40 = tpu.memref_squeeze %dma_wait3A_39 : memref<1x2048xf32, #tpu.memory_space<hbm>> -> memref<2048xf32, #tpu.memory_space<hbm>>
      tpu.wait_dma2 semaphore(%run_scoped3A : memref<!tpu.dma_semaphore, #tpu.memory_space<semaphore_mem>>) src(%arg13 : memref<2048xf32, #tpu.memory_space<vmem>>) dst(%dma_wait3A_40 : memref<2048xf32, #tpu.memory_space<hbm>>)
      tpu.yield
    }) : () -> ()
    "tpu.region"() ({
      %run_scoped3A = tpu.sem_alloc : memref<!tpu.dma_semaphore, #tpu.memory_space<semaphore_mem>>
      %dma_start3A = arith.constant 0 : i32
      %dma_start3A_31 = tpu.memref_slice %arg7[%add3A, %dma_start3A] : memref<32x2048xi32, #tpu.memory_space<hbm>> -> memref<1x2048xi32, #tpu.memory_space<hbm>>
      %dma_start3A_32 = tpu.memref_squeeze %dma_start3A_31 : memref<1x2048xi32, #tpu.memory_space<hbm>> -> memref<2048xi32, #tpu.memory_space<hbm>>
      %dma_start3A_33 = arith.constant 0 : i32
      %dma_start3A_34 = tpu.memref_slice %arg7[%add3A, %dma_start3A_33] : memref<32x2048xi32, #tpu.memory_space<hbm>> -> memref<1x2048xi32, #tpu.memory_space<hbm>>
      %dma_start3A_35 = tpu.memref_squeeze %dma_start3A_34 : memref<1x2048xi32, #tpu.memory_space<hbm>> -> memref<2048xi32, #tpu.memory_space<hbm>>
      tpu.enqueue_dma source(%arg14 : memref<2048xi32, #tpu.memory_space<vmem>>) target(%dma_start3A_35 : memref<2048xi32, #tpu.memory_space<hbm>>) target_semaphore(%run_scoped3A : memref<!tpu.dma_semaphore, #tpu.memory_space<semaphore_mem>>)
      %dma_wait3A = arith.constant 0 : i32
      %dma_wait3A_36 = tpu.memref_slice %arg7[%add3A, %dma_wait3A] : memref<32x2048xi32, #tpu.memory_space<hbm>> -> memref<1x2048xi32, #tpu.memory_space<hbm>>
      %dma_wait3A_37 = tpu.memref_squeeze %dma_wait3A_36 : memref<1x2048xi32, #tpu.memory_space<hbm>> -> memref<2048xi32, #tpu.memory_space<hbm>>
      %dma_wait3A_38 = arith.constant 0 : i32
      %dma_wait3A_39 = tpu.memref_slice %arg7[%add3A, %dma_wait3A_38] : memref<32x2048xi32, #tpu.memory_space<hbm>> -> memref<1x2048xi32, #tpu.memory_space<hbm>>
      %dma_wait3A_40 = tpu.memref_squeeze %dma_wait3A_39 : memref<1x2048xi32, #tpu.memory_space<hbm>> -> memref<2048xi32, #tpu.memory_space<hbm>>
      tpu.wait_dma2 semaphore(%run_scoped3A : memref<!tpu.dma_semaphore, #tpu.memory_space<semaphore_mem>>) src(%arg14 : memref<2048xi32, #tpu.memory_space<vmem>>) dst(%dma_wait3A_40 : memref<2048xi32, #tpu.memory_space<hbm>>)
      tpu.yield
    }) : () -> ()
    return
  }
}

module attributes {stable_mosaic.version = 14 : i64} {
  func.func @_stage_a(%arg0: i32, %arg1: memref<32x64xf32, #tpu.memory_space<vmem>>, %arg2: memref<8192x64xf32, #tpu.memory_space<vmem>>, %arg3: memref<32x8192xf32, #tpu.memory_space<vmem>>, %arg4: memref<32x8192xf32, #tpu.memory_space<vmem>>, %arg5: memref<32x128xf32, #tpu.memory_space<vmem>>) attributes {dimension_semantics = [#tpu.dimension_semantics<arbitrary>], iteration_bounds = array<i64: 123>, scalar_prefetch = 0 : i64, scratch_operands = 0 : i64, tpu.core_type = #tpu.core_type<tc>, window_params = [{pipeline_mode = #tpu.pipeline_mode<synchronous>, transform_indices = @transform_0, window_bounds = array<i64: 32, 64>}, {transform_indices = @transform_1, window_bounds = array<i64: 8192, 64>}, {transform_indices = @transform_2, window_bounds = array<i64: 32, 8192>}, {pipeline_mode = #tpu.pipeline_mode<synchronous>, transform_indices = @transform_3, window_bounds = array<i64: 32, 8192>}, {pipeline_mode = #tpu.pipeline_mode<synchronous>, transform_indices = @transform_4, window_bounds = array<i64: 32, 128>}]} {
    %get3A = arith.constant 0 : index
    %get3A_0 = arith.constant 0 : index
    %get3A_1 = vector.load %arg1[%get3A, %get3A_0] : memref<32x64xf32, #tpu.memory_space<vmem>>, vector<32x64xf32>
    %get3A_2 = arith.constant 0 : index
    %get3A_3 = arith.constant 0 : index
    %get3A_4 = vector.load %arg2[%get3A_2, %get3A_3] : memref<8192x64xf32, #tpu.memory_space<vmem>>, vector<8192x64xf32>
    %dot_general3A = arith.constant dense<0.000000e+00> : vector<32x8192xf32>
    %dot_general3A_5 = tpu.matmul %get3A_1, %get3A_4, %dot_general3A {dimension_numbers = #tpu.dot_dimension_numbers<[1], [1], [0], [0], [0, 0, 1, 0], [], []>, transpose_lhs_hint = false} : vector<32x64xf32>, vector<8192x64xf32>, vector<32x8192xf32> -> vector<32x8192xf32>
    %eq3A = arith.constant 0 : i32
    %eq3A_6 = arith.cmpi eq, %arg0, %eq3A : i32
    %convert_element_type3A = arith.extui %eq3A_6 : i1 to i32
    %cond3A = arith.constant 0 : i32
    %cond3A_7 = arith.cmpi ne, %convert_element_type3A, %cond3A : i32
    scf.if %cond3A_7 {
      %swap3A = arith.constant 0 : index
      %swap3A_18 = arith.constant 0 : index
      %swap3A_19 = vector.load %arg3[%swap3A, %swap3A_18] : memref<32x8192xf32, #tpu.memory_space<vmem>>, vector<32x8192xf32>
      tpu.vector_store %arg3[%swap3A, %swap3A_18], %dot_general3A_5 {strides = array<i32>} : memref<32x8192xf32, #tpu.memory_space<vmem>>, vector<32x8192xf32>,
      %swap3A_20 = arith.constant 0 : index
      %swap3A_21 = arith.constant 0 : index
      %swap3A_22 = vector.load %arg4[%swap3A_20, %swap3A_21] : memref<32x8192xf32, #tpu.memory_space<vmem>>, vector<32x8192xf32>
      tpu.vector_store %arg4[%swap3A_20, %swap3A_21], %dot_general3A_5 {strides = array<i32>} : memref<32x8192xf32, #tpu.memory_space<vmem>>, vector<32x8192xf32>,
    } else {
    }
    %gt3A = arith.constant 0 : i32
    %gt3A_8 = arith.cmpi sgt, %arg0, %gt3A : i32
    %lt3A = arith.constant 122 : i32
    %lt3A_9 = arith.cmpi slt, %arg0, %lt3A : i32
    %and3A = arith.andi %gt3A_8, %lt3A_9 : i1
    %convert_element_type3A_10 = arith.extui %and3A : i1 to i32
    %cond3A_11 = arith.constant 0 : i32
    %cond3A_12 = arith.cmpi ne, %convert_element_type3A_10, %cond3A_11 : i32
    scf.if %cond3A_12 {
      %swap3A = arith.constant 0 : index
      %swap3A_18 = arith.constant 0 : index
      %swap3A_19 = vector.load %arg3[%swap3A, %swap3A_18] : memref<32x8192xf32, #tpu.memory_space<vmem>>, vector<32x8192xf32>
      tpu.vector_store %arg3[%swap3A, %swap3A_18], %dot_general3A_5 {strides = array<i32>} : memref<32x8192xf32, #tpu.memory_space<vmem>>, vector<32x8192xf32>,
      %get3A_20 = arith.constant 0 : index
      %get3A_21 = arith.constant 0 : index
      %get3A_22 = vector.load %arg4[%get3A_20, %get3A_21] : memref<32x8192xf32, #tpu.memory_space<vmem>>, vector<32x8192xf32>
      %max3A = arith.maximumf %get3A_22, %dot_general3A_5 : vector<32x8192xf32>
      %swap3A_23 = arith.constant 0 : index
      %swap3A_24 = arith.constant 0 : index
      %swap3A_25 = vector.load %arg4[%swap3A_23, %swap3A_24] : memref<32x8192xf32, #tpu.memory_space<vmem>>, vector<32x8192xf32>
      tpu.vector_store %arg4[%swap3A_23, %swap3A_24], %max3A {strides = array<i32>} : memref<32x8192xf32, #tpu.memory_space<vmem>>, vector<32x8192xf32>,
    } else {
    }
    %eq3A_13 = arith.constant 122 : i32
    %eq3A_14 = arith.cmpi eq, %arg0, %eq3A_13 : i32
    %convert_element_type3A_15 = arith.extui %eq3A_14 : i1 to i32
    %cond3A_16 = arith.constant 0 : i32
    %cond3A_17 = arith.cmpi ne, %convert_element_type3A_15, %cond3A_16 : i32
    scf.if %cond3A_17 {
      %mul3A = arith.constant 8192 : i32
      %mul3A_18 = arith.muli %arg0, %mul3A : i32
      %iota3A = tpu.iota {dimensions = array<i32: 1>} : vector<32x8192xi32>
      %add3A = vector.broadcast %mul3A_18 : i32 to vector<32x8192xi32>
      %add3A_19 = arith.addi %add3A, %iota3A : vector<32x8192xi32>
      %lt3A_20 = arith.constant 1000000 : i32
      %lt3A_21 = vector.broadcast %lt3A_20 : i32 to vector<32x8192xi32>
      %lt3A_22 = arith.cmpi slt, %add3A_19, %lt3A_21 : vector<32x8192xi32>
      %jit3A = arith.constant 0xFF800000 : f32
      %broadcast_in_dim3A = vector.broadcast %jit3A : f32 to vector<32x8192xf32>
      %select_n3A = arith.select %lt3A_22, %dot_general3A_5, %broadcast_in_dim3A : vector<32x8192xi1>, vector<32x8192xf32>
      %swap3A = arith.constant 0 : index
      %swap3A_23 = arith.constant 0 : index
      %swap3A_24 = vector.load %arg3[%swap3A, %swap3A_23] : memref<32x8192xf32, #tpu.memory_space<vmem>>, vector<32x8192xf32>
      tpu.vector_store %arg3[%swap3A, %swap3A_23], %select_n3A {strides = array<i32>} : memref<32x8192xf32, #tpu.memory_space<vmem>>, vector<32x8192xf32>,
      %get3A_25 = arith.constant 0 : index
      %get3A_26 = arith.constant 0 : index
      %get3A_27 = vector.load %arg4[%get3A_25, %get3A_26] : memref<32x8192xf32, #tpu.memory_space<vmem>>, vector<32x8192xf32>
      %max3A = arith.maximumf %get3A_27, %select_n3A : vector<32x8192xf32>
      %swap3A_28 = arith.constant 0 : index
      %swap3A_29 = arith.constant 0 : index
      %swap3A_30 = vector.load %arg4[%swap3A_28, %swap3A_29] : memref<32x8192xf32, #tpu.memory_space<vmem>>, vector<32x8192xf32>
      tpu.vector_store %arg4[%swap3A_28, %swap3A_29], %max3A {strides = array<i32>} : memref<32x8192xf32, #tpu.memory_space<vmem>>, vector<32x8192xf32>,
      %get3A_31 = arith.constant 0 : index
      %get3A_32 = arith.constant 0 : index
      %get3A_33 = vector.load %arg4[%get3A_31, %get3A_32] : memref<32x8192xf32, #tpu.memory_space<vmem>>, vector<32x8192xf32>
      %slice3A = vector.extract_strided_slice %get3A_33 {offsets = [0, 0], sizes = [32, 1024], strides = [1, 1]} : vector<32x8192xf32> to vector<32x1024xf32>
      %slice3A_34 = vector.extract_strided_slice %get3A_33 {offsets = [0, 1024], sizes = [32, 1024], strides = [1, 1]} : vector<32x8192xf32> to vector<32x1024xf32>
      %max3A_35 = arith.maximumf %slice3A, %slice3A_34 : vector<32x1024xf32>
      %slice3A_36 = vector.extract_strided_slice %get3A_33 {offsets = [0, 2048], sizes = [32, 1024], strides = [1, 1]} : vector<32x8192xf32> to vector<32x1024xf32>
      %max3A_37 = arith.maximumf %max3A_35, %slice3A_36 : vector<32x1024xf32>
      %slice3A_38 = vector.extract_strided_slice %get3A_33 {offsets = [0, 3072], sizes = [32, 1024], strides = [1, 1]} : vector<32x8192xf32> to vector<32x1024xf32>
      %max3A_39 = arith.maximumf %max3A_37, %slice3A_38 : vector<32x1024xf32>
      %slice3A_40 = vector.extract_strided_slice %get3A_33 {offsets = [0, 4096], sizes = [32, 1024], strides = [1, 1]} : vector<32x8192xf32> to vector<32x1024xf32>
      %max3A_41 = arith.maximumf %max3A_39, %slice3A_40 : vector<32x1024xf32>
      %slice3A_42 = vector.extract_strided_slice %get3A_33 {offsets = [0, 5120], sizes = [32, 1024], strides = [1, 1]} : vector<32x8192xf32> to vector<32x1024xf32>
      %max3A_43 = arith.maximumf %max3A_41, %slice3A_42 : vector<32x1024xf32>
      %slice3A_44 = vector.extract_strided_slice %get3A_33 {offsets = [0, 6144], sizes = [32, 1024], strides = [1, 1]} : vector<32x8192xf32> to vector<32x1024xf32>
      %max3A_45 = arith.maximumf %max3A_43, %slice3A_44 : vector<32x1024xf32>
      %slice3A_46 = vector.extract_strided_slice %get3A_33 {offsets = [0, 7168], sizes = [32, 1024], strides = [1, 1]} : vector<32x8192xf32> to vector<32x1024xf32>
      %max3A_47 = arith.maximumf %max3A_45, %slice3A_46 : vector<32x1024xf32>
      %broadcast_in_dim3A_48 = arith.constant 0.000000e+00 : f32
      %broadcast_in_dim3A_49 = vector.broadcast %broadcast_in_dim3A_48 : f32 to vector<32x1xf32>
      %scan3A = arith.constant 0 : i32
      %scan3A_50 = arith.constant 100 : i32
      %scan3A_51 = arith.addi %scan3A, %scan3A_50 : i32
      %scan3A_52 = arith.constant 1 : i32
      %scan3A_53:2 = scf.for %scan3A_59 = %scan3A to %scan3A_51 step %scan3A_52 iter_args(%scan3A_60 = %max3A_47, %scan3A_61 = %broadcast_in_dim3A_49) -> (vector<32x1024xf32>, vector<32x1xf32>)  : i32 {
        %reduce_max3A = arith.constant dense<0xFF800000> : vector<32xf32>
        %reduce_max3A_62 = vector.multi_reduction <maximumf>, %scan3A_60, %reduce_max3A [1] : vector<32x1024xf32> to vector<32xf32>
        %broadcast_in_dim3A_63 = vector.shape_cast %reduce_max3A_62 : vector<32xf32> to vector<32x1xf32>
        %eq3A_64 = vector.broadcast %broadcast_in_dim3A_63 : vector<32x1xf32> to vector<32x1024xf32>
        %eq3A_65 = arith.cmpf oeq, %scan3A_60, %eq3A_64 : vector<32x1024xf32>
        %jit3A_66 = arith.constant 0xFF800000 : f32
        %broadcast_in_dim3A_67 = vector.broadcast %jit3A_66 : f32 to vector<32x1024xf32>
        %select_n3A_68 = arith.select %eq3A_65, %broadcast_in_dim3A_67, %scan3A_60 : vector<32x1024xi1>, vector<32x1024xf32>
        scf.yield %select_n3A_68, %broadcast_in_dim3A_63 : vector<32x1024xf32>, vector<32x1xf32>
      }
      %broadcast_in_dim3A_54 = vector.shape_cast %scan3A_53#1 : vector<32x1xf32> to vector<32x1xf32>
      %broadcast_in_dim3A_55 = vector.broadcast %broadcast_in_dim3A_54 : vector<32x1xf32> to vector<32x128xf32>
      %swap3A_56 = arith.constant 0 : index
      %swap3A_57 = arith.constant 0 : index
      %swap3A_58 = vector.load %arg5[%swap3A_56, %swap3A_57] : memref<32x128xf32, #tpu.memory_space<vmem>>, vector<32x128xf32>
      tpu.vector_store %arg5[%swap3A_56, %swap3A_57], %broadcast_in_dim3A_55 {strides = array<i32>} : memref<32x128xf32, #tpu.memory_space<vmem>>, vector<32x128xf32>,
    } else {
    }
    return
  }
  func.func @transform_0(%arg0: i32) -> (i32, i32) {
    %c0_i32 = arith.constant 0 : i32
    %c0_i32_0 = arith.constant 0 : i32
    %c0_i32_1 = arith.constant 0 : i32
    return %c0_i32, %c0_i32_0 : i32, i32
  }
  func.func @transform_1(%arg0: i32) -> (i32, i32) {
    %c0_i32 = arith.constant 0 : i32
    %c0_i32_0 = arith.constant 0 : i32
    return %arg0, %c0_i32 : i32, i32
  }
  func.func @transform_2(%arg0: i32) -> (i32, i32) {
    %c0_i32 = arith.constant 0 : i32
    %c0_i32_0 = arith.constant 0 : i32
    return %c0_i32, %arg0 : i32, i32
  }
  func.func @transform_3(%arg0: i32) -> (i32, i32) {
    %c0_i32 = arith.constant 0 : i32
    %c0_i32_0 = arith.constant 0 : i32
    %c0_i32_1 = arith.constant 0 : i32
    return %c0_i32, %c0_i32_0 : i32, i32
  }
  func.func @transform_4(%arg0: i32) -> (i32, i32) {
    %c0_i32 = arith.constant 0 : i32
    %c0_i32_0 = arith.constant 0 : i32
    %c0_i32_1 = arith.constant 0 : i32
    return %c0_i32, %c0_i32_0 : i32, i32
  }
}

module attributes {stable_mosaic.version = 14 : i64} {
  func.func @_stage_c(%arg0: memref<32x2048xf32, #tpu.memory_space<vmem>>, %arg1: memref<32x2048xi32, #tpu.memory_space<vmem>>, %arg2: memref<32x128xi32, #tpu.memory_space<vmem>>, %arg3: memref<32x2048xf32, #tpu.memory_space<vmem>>) attributes {dimension_semantics = [], scalar_prefetch = 0 : i64, scratch_operands = 1 : i64, tpu.core_type = #tpu.core_type<tc>} {
    %get3A = arith.constant 0 : index
    %get3A_0 = arith.constant 0 : index
    %get3A_1 = vector.load %arg0[%get3A, %get3A_0] : memref<32x2048xf32, #tpu.memory_space<vmem>>, vector<32x2048xf32>
    %swap3A = arith.constant 0 : index
    %swap3A_2 = arith.constant 0 : index
    %swap3A_3 = vector.load %arg3[%swap3A, %swap3A_2] : memref<32x2048xf32, #tpu.memory_space<vmem>>, vector<32x2048xf32>
    tpu.vector_store %arg3[%swap3A, %swap3A_2], %get3A_1 {strides = array<i32>} : memref<32x2048xf32, #tpu.memory_space<vmem>>, vector<32x2048xf32>,
    %iota3A = tpu.iota {dimensions = array<i32: 1>} : vector<32x128xi32>
    %broadcast_in_dim3A = arith.constant 0 : i32
    %broadcast_in_dim3A_4 = vector.broadcast %broadcast_in_dim3A : i32 to vector<32x128xi32>
    %scan3A = arith.constant 1073741824 : i32
    %scan3A_5 = arith.constant 0 : i32
    %scan3A_6 = arith.constant 100 : i32
    %scan3A_7 = arith.addi %scan3A_5, %scan3A_6 : i32
    %scan3A_8 = arith.constant 1 : i32
    %scan3A_9 = scf.for %scan3A_14 = %scan3A_5 to %scan3A_7 step %scan3A_8 iter_args(%scan3A_15 = %broadcast_in_dim3A_4) -> (vector<32x128xi32>)  : i32 {
      %get3A_16 = arith.constant 0 : index
      %get3A_17 = arith.constant 0 : index
      %get3A_18 = vector.load %arg3[%get3A_16, %get3A_17] : memref<32x2048xf32, #tpu.memory_space<vmem>>, vector<32x2048xf32>
      %get3A_19 = arith.constant 0 : index
      %get3A_20 = arith.constant 0 : index
      %get3A_21 = vector.load %arg1[%get3A_19, %get3A_20] : memref<32x2048xi32, #tpu.memory_space<vmem>>, vector<32x2048xi32>
      %reduce_max3A = arith.constant dense<0xFF800000> : vector<32xf32>
      %reduce_max3A_22 = vector.multi_reduction <maximumf>, %get3A_18, %reduce_max3A [1] : vector<32x2048xf32> to vector<32xf32>
      %broadcast_in_dim3A_23 = vector.shape_cast %reduce_max3A_22 : vector<32xf32> to vector<32x1xf32>
      %eq3A = vector.broadcast %broadcast_in_dim3A_23 : vector<32x1xf32> to vector<32x2048xf32>
      %eq3A_24 = arith.cmpf oeq, %get3A_18, %eq3A : vector<32x2048xf32>
      %broadcast_in_dim3A_25 = vector.broadcast %scan3A : i32 to vector<32x2048xi32>
      %select_n3A = arith.select %eq3A_24, %get3A_21, %broadcast_in_dim3A_25 : vector<32x2048xi1>, vector<32x2048xi32>
      %reduce_min3A = arith.constant dense<2147483647> : vector<32xi32>
      %reduce_min3A_26 = vector.multi_reduction <minsi>, %select_n3A, %reduce_min3A [1] : vector<32x2048xi32> to vector<32xi32>
      %broadcast_in_dim3A_27 = vector.shape_cast %reduce_min3A_26 : vector<32xi32> to vector<32x1xi32>
      %eq3A_28 = vector.broadcast %broadcast_in_dim3A_27 : vector<32x1xi32> to vector<32x2048xi32>
      %eq3A_29 = arith.cmpi eq, %get3A_21, %eq3A_28 : vector<32x2048xi32>
      %and3A = arith.andi %eq3A_24, %eq3A_29 : vector<32x2048xi1>
      %jit3A = arith.constant 0xFF800000 : f32
      %broadcast_in_dim3A_30 = vector.broadcast %jit3A : f32 to vector<32x2048xf32>
      %select_n3A_31 = arith.select %and3A, %broadcast_in_dim3A_30, %get3A_18 : vector<32x2048xi1>, vector<32x2048xf32>
      %swap3A_32 = arith.constant 0 : index
      %swap3A_33 = arith.constant 0 : index
      %swap3A_34 = vector.load %arg3[%swap3A_32, %swap3A_33] : memref<32x2048xf32, #tpu.memory_space<vmem>>, vector<32x2048xf32>
      tpu.vector_store %arg3[%swap3A_32, %swap3A_33], %select_n3A_31 {strides = array<i32>} : memref<32x2048xf32, #tpu.memory_space<vmem>>, vector<32x2048xf32>,
      %eq3A_35 = vector.broadcast %scan3A_14 : i32 to vector<32x128xi32>
      %eq3A_36 = arith.cmpi eq, %iota3A, %eq3A_35 : vector<32x128xi32>
      %broadcast_in_dim3A_37 = vector.shape_cast %broadcast_in_dim3A_27 : vector<32x1xi32> to vector<32x1xi32>
      %broadcast_in_dim3A_38 = vector.broadcast %broadcast_in_dim3A_37 : vector<32x1xi32> to vector<32x128xi32>
      %select_n3A_39 = arith.select %eq3A_36, %broadcast_in_dim3A_38, %scan3A_15 : vector<32x128xi1>, vector<32x128xi32>
      scf.yield %select_n3A_39 : vector<32x128xi32>
    }
    %scan3A_10 = arith.constant 100 : i32
    %swap3A_11 = arith.constant 0 : index
    %swap3A_12 = arith.constant 0 : index
    %swap3A_13 = vector.load %arg2[%swap3A_11, %swap3A_12] : memref<32x128xi32, #tpu.memory_space<vmem>>, vector<32x128xi32>
    tpu.vector_store %arg2[%swap3A_11, %swap3A_12], %scan3A_9 {strides = array<i32>} : memref<32x128xi32, #tpu.memory_space<vmem>>, vector<32x128xi32>,
    return
  }
}

</mosaic_0001>

<sc_bundles>
// kernel: kernel.5.cloned.1.call-start
scs
__scs_entry_jumppad:
0x0: {  	(pc) =	sbr.rel $0x88, $3  }
0x1: {  	(tag) =	ssettag $0x0;
	lr =	simm.s32 $0x1  }
0x2: {  	[smem:$0x3F9F] =	sst lr;
	_ =	strace $0xD0000000  }
0x3: {  	_ = 	snop  }
0x4: {  	_ = 	snop  }
0x5: {  	_ = 	snop  }
0x6: {  	_ = 	snop  }
0x7: {  	_ = 	snop  }
__scs_overlays_trampoline_lowered:
0x8: {  	[smem:$0x3FAE] =	sst s0  }
0x9: {  	[smem:$0x3FAF] =	sst s1  }
0xa: {  	[smem:$0x3FB0] =	sst s2  }
0xb: {  	[smem:$0x3FB1] =	sst s3  }
0xc: {  	[smem:$0x3FB2] =	sst s4  }
0xd: {  	[smem:$0x3FB3] =	sst s5  }
0xe: {  	[smem:$0x3FB4] =	sst s6  }
0xf: {  	[smem:$0x3FB5] =	sst s7  }
0x10: {  	[smem:$0x3FB6] =	sst s8  }
0x11: {  	[smem:$0x3FB7] =	sst s9;
	s0 =	simm.s32 @!p0 $0x0  }
0x12: {  	s1 =	sld [smem:$0x3F9D];
	s0 =	simm.s32 @p0 $0x1  }
0x13: {  	[smem:$0x3FB8] =	sst s0;
	s0 =	simm.s32 @!p1 $0x0  }
0x14: {  	s2 =	sld [smem:$0x3F9C];
	s0 =	simm.s32 @p1 $0x1  }
0x15: {  	[smem:$0x3FB9] =	sst s0;
	s0 =	simm.s32 @!p2 $0x0  }
0x16: {  	s3 =	sld [smem:$0x3FDB];
	s0 =	simm.s32 @p2 $0x1  }
0x17: {  	s4 =	simm.s32 $0x1BF5;
	[smem:$0x3FBB] =	sst s0  }
0x18: {  	s0 =	sld [smem:$0x3F9E];
	_ =	swait.ge [sflag:s4], $0x0  }
0x19: {  	s7 =	sld [smem:$0x3F9F]  }
0x1a: {  	s8 =	sadd.s32 $0xFFFFE003, lr  }
0x1b: {  	s9 =	sadd.s32 $0xFFFFFEF7, lr;
	s5 =	simm.s32 $0xFFFFFFFF;
	p2 =	slt.u32 s8, $0xFFFFF086  }
0x1c: {  	p1 =	slt.u32 s9, $0xF7A;
	s5 =	simm.s32 @!p2 $0x0  }
0x1d: {  	s5 =	simm.s32 @p1 $0x1;
	p0 =	seq.s32 s7, s2  }
0x1e: {  	s7 =	smul.u32 @!p0 $0xF7A, s2;
	p2 =	seq.s32 @!p0 s5, $0x0  }
0x1f: {  	s9 =	smul.u32 $0xF7A, s1;
	s8 =	simm.s32 @!p0 $0x1BF5;
	p2 =	por !p2, p0  }
0x20: {  	[sflag:s8] =	ssyncset.s32 @!p0 $0xFFFFF086;
	s6 =	sadd.s32 @!p0 s3, s7;
	s7 =	simm.s32 @!p0 $0x108  }
0x21: {  	s3 =	sadd.s32 s3, s9;
	s6 =	sadd.s32 @!p0 $0x88, s6;
	s7 =	simm.s32 @p2 $0x1082  }
0x22: {  	[simem:s7], [sflag:s8] =	dma.local @!p0 [hbm:s6], $0xF7A  }
0x23: {  	s9 =	sor.u32 $0xD0000000, s2;
	s6 =	simm.s32 $0x108;
	_ =	swait.ge @!p0 [sflag:s8], $0x0  }
0x24: {  	s3 =	sadd.s32 $0x88, s3;
	s6 =	simm.s32 @!p1 $0x1082;
	[sflag:s4] =	ssyncset.s32 $0xFFFFF086  }
0x25: {  	[simem:s6], [sflag:s4] =	dma.local [hbm:s3], $0xF7A  }
0x26: {  	[smem:$0x3F9F] =	sst s1;
	(tag) =	ssettag s2;
	_ =	strace s9  }
0x27: {  	s1 =	sld [smem:$0x3FAF]  }
0x28: {  	s2 =	sld [smem:$0x3FB0]  }
0x29: {  	s4 =	sld [smem:$0x3FB2]  }
0x2a: {  	p0 =	seq.s32 s5, $0x0;
	s5 =	sld [smem:$0x3FB3]  }
0x2b: {  	s6 =	sld [smem:$0x3FB4]  }
0x2c: {  	s7 =	sld [smem:$0x3FB5]  }
0x2d: {  	s3 =	simm.s32 $0x108;
	s8 =	sld [smem:$0x3FB6]  }
0x2e: {  	s3 =	simm.s32 @!p0 $0x1082;
	s9 =	sld [smem:$0x3FB7]  }
0x2f: {  	lr =	sadd.s32 s0, s3;
	s0 =	sld [smem:$0x3FAE]  }
0x30: {  	s3 =	sld [smem:$0x3FB1]  }
0x31: {  	[smem:$0x3FBA] =	sst s10  }
0x32: {  	s10 =	sld [smem:$0x3FB8];
	_ =	sdelay $0x3  }
0x33: {  	p0 =	seq.s32 s10, $0x1;
	s10 =	sld [smem:$0x3FBA];
	_ =	sdelay $0x3  }
0x34: {  	[smem:$0x3FBA] =	sst s10  }
0x35: {  	s10 =	sld [smem:$0x3FB9];
	_ =	sdelay $0x3  }
0x36: {  	p1 =	seq.s32 s10, $0x1;
	s10 =	sld [smem:$0x3FBA];
	_ =	sdelay $0x3  }
0x37: {  	[smem:$0x3FBA] =	sst s10  }
0x38: {  	s10 =	sld [smem:$0x3FBB]  }
0x39: {  	_ = 	snop;
	(pc) =	sbr.ind lr, $3  }
0x3a: {  	_ = 	snop  }
0x3b: {  	_ = 	snop  }
0x3c: {  	p2 =	seq.s32 s10, $0x1;
	s10 =	sld [smem:$0x3FBA]  }
0x3d: {  	_ =	shalt  }
0x3e: {  	_ =	shalt  }
0x3f: {  	_ =	shalt  }
0x40: {  	_ =	shalt  }
0x41: {  	_ =	shalt  }
0x42: {  	_ =	shalt  }
0x43: {  	_ =	shalt  }
0x44: {  	_ =	shalt  }
0x45: {  	_ =	shalt  }
0x46: {  	_ =	shalt  }
0x47: {  	_ =	shalt  }
0x48: {  	_ =	shalt  }
0x49: {  	_ =	shalt  }
0x4a: {  	_ =	shalt  }
0x4b: {  	_ =	shalt  }
0x4c: {  	_ =	shalt  }
0x4d: {  	_ =	shalt  }
0x4e: {  	_ =	shalt  }
0x4f: {  	_ =	shalt  }
0x50: {  	_ =	shalt  }
0x51: {  	_ =	shalt  }
0x52: {  	_ =	shalt  }
0x53: {  	_ =	shalt  }
0x54: {  	_ =	shalt  }
0x55: {  	_ =	shalt  }
0x56: {  	_ =	shalt  }
0x57: {  	_ =	shalt  }
0x58: {  	_ =	shalt  }
0x59: {  	_ =	shalt  }
0x5a: {  	_ =	shalt  }
0x5b: {  	_ =	shalt  }
0x5c: {  	_ =	shalt  }
0x5d: {  	_ =	shalt  }
0x5e: {  	_ =	shalt  }
0x5f: {  	_ =	shalt  }
0x60: {  	_ =	shalt  }
0x61: {  	_ =	shalt  }
0x62: {  	_ =	shalt  }
0x63: {  	_ =	shalt  }
0x64: {  	_ =	shalt  }
0x65: {  	_ =	shalt  }
0x66: {  	_ =	shalt  }
0x67: {  	_ =	shalt  }
0x68: {  	_ =	shalt  }
0x69: {  	_ =	shalt  }
0x6a: {  	_ =	shalt  }
0x6b: {  	_ =	shalt  }
0x6c: {  	_ =	shalt  }
0x6d: {  	_ =	shalt  }
0x6e: {  	_ =	shalt  }
0x6f: {  	_ =	shalt  }
0x70: {  	_ =	shalt  }
0x71: {  	_ =	shalt  }
0x72: {  	_ =	shalt  }
0x73: {  	_ =	shalt  }
0x74: {  	_ =	shalt  }
0x75: {  	_ =	shalt  }
0x76: {  	_ =	shalt  }
0x77: {  	_ =	shalt  }
0x78: {  	_ =	shalt  }
0x79: {  	_ =	shalt  }
0x7a: {  	_ =	shalt  }
0x7b: {  	_ =	shalt  }
0x7c: {  	_ =	shalt  }
0x7d: {  	_ =	shalt  }
0x7e: {  	_ =	shalt  }
0x7f: {  	_ =	shalt  }
0x80: {  	_ =	shalt  }
0x81: {  	_ =	shalt  }
0x82: {  	_ =	shalt  }
0x83: {  	_ =	shalt  }
0x84: {  	_ =	shalt  }
0x85: {  	_ =	shalt  }
0x86: {  	_ =	shalt  }
0x87: {  	_ =	shalt  }
.Lfunc_end0:
.L_simem_size_0:
called_computation.1_lowered:
.L_overlay_start_0:
0x88: {  	s2 =	sld [smem:$0x3FD9]  }
0x89: {  	s3 =	sld [smem:$0x3FFE];
	_ =	sdelay $0x1  }
0x8a: {  	s1 =	srdreg.scid  }
0x8b: {  	s0 =	sand.u32 $0x1, s1  }
0x8c: {  	s17 =	sshll.u32 s0, $0xA;
	s2 =	sadd.s32 s3, s2  }
0x8d: {  	s2 =	sadd.s32 s2, s17  }
0x8e: {  	[smem:$0x3FC6] =	sst s2  }
0x8f: {  	_ = 	snop  }
0x90: {  	s2 =	sld [smem:$0x3FD0];
	(tm) =	ssettm $0x1  }
0x91: {  	s18 =	sld [smem:$0x3FFB];
	_ =	sdelay $0x3  }
0x92: {  	_ =	strace s18  }
0x93: {  	s3 =	sld [smem:$0x3FFC];
	_ =	sdelay $0x3  }
0x94: {  	_ =	strace s3  }
0x95: {  	s3 =	sld [smem:$0x3FFD];
	_ =	sdelay $0x3  }
0x96: {  	_ =	strace s3  }
0x97: {  	_ =	strace $0x8FFFFFFF  }
0x98: {  	s19 =	sld [smem:$0x3FDB];
	_ =	sdelay $0x1  }
0x99: {  	s4 =	simm.s32 $_scs_section_size  }
0x9a: {  	s5 =	simm.s32 $_size__tile_overlayer_lowered;
	s6 =	simm.s32 $_tile_overlayer_lowered  }
0x9b: {  	s22 =	simm.s32 $0x1BFF;
	s21 =	sshll.u32 s6, $0x1;
	s3 =	sadd.s32 s4, s19  }
0x9c: {  	s7 =	simm.s32 $0x0;
	s20 =	sshll.u32 s5, $0x1;
	s5 =	sadd.s32 s21, s3  }
0x9d: {  	[timem:s7], [sflag:s22] =	dma.local [hbm:s5], s20  }
0x9e: {  	_ =	swait.ge [sflag:s22], s20  }
0x9f: {  	s4 =	ssub.s32 $0x0, s20;
	[sflag:s22] =	ssyncset.done $0x0  }
0xa0: {  	[sflag:s22] =	ssyncadd.s32 s4;
	_ =	sdelay $0x1  }
0xa1: {  	s23 =	simm.s32 $0x1B8B  }
0xa2: {  	_ =	swait.ge [sflag:s23], $0x1  }
0xa3: {  	[sflag:s23] =	ssyncset.done $0x0  }
0xa4: {  	s25 =	simm.s32 $0x1B8E;
	s24 =	sld [smem:$0x3FFE];
	[sflag:s23] =	ssyncadd.s32 $0xFFFFFFFF  }
0xa5: {  	s26 =	simm.s32 $execute0_lowered;
	[smem:$0x3FD2] =	sst s25  }
0xa6: {  	s5 =	sshll.u32 s26, $0x1;
	_ =	strace $0x80000049;
	[dreg:$0x1] =	wrdreg $0xFFFFFFFF  }
0xa7: {  	s28 =	simm.s32 $_size_execute0_lowered;
	s3 =	sadd.s32 s3, s5;
	[dreg:$0x0] =	wrdreg $0x0  }
0xa8: {  	s5 =	sshll.u32 s28, $0x1;
	[dreg:$0x2] =	wrdreg s3  }
0xa9: {  	[dreg:$0x3] =	wrdreg s5  }
0xaa: {  	[dreg:$0x4] =	wrdreg $0xC0  }
0xab: {  	_ =	task [dreg:s7], $0x5FFFF  }
0xac: {  	[dreg:$0x1] =	wrdreg $0xFFFFFFFF  }
0xad: {  	[dreg:$0x0] =	wrdreg $0x60  }
0xae: {  	[dreg:$0x2] =	wrdreg s24  }
0xaf: {  	[dreg:$0x3] =	wrdreg s2  }
0xb0: {  	[dreg:$0x4] =	wrdreg $0x9  }
0xb1: {  	_ =	task.clear_ibuf [dreg:s7], $0x5FFFF;
	_ =	strace $0x90000049  }
0xb2: {  	s29 =	simm.s32 $0x9;
	_ =	strace $0x8000004B  }
0xb3: {  	_ =	swait.ge [sflag:s29], $0x1  }
0xb4: {  	[sflag:s29] =	ssyncadd.s32 $0xFFFFFFFF  }
0xb5: {  	_ =	strace $0x9000004B  }
0xb6: {  	_ =	sfence  }
0xb7: {  	s30 =	sld [smem:$0x0];
	_ =	sdelay $0x2  }
0xb8: {  	s31 =	sshll.u32 s1, $0xD;
	s1 =	sshrl.u32 s1, $0x2  }
0xb9: {  	s3 =	sand.u32 $0x4000, s31;
	s1 =	sadd.s32 s1, s30  }
0xba: {  	s0 =	sor.u32 s3, s0;
	s1 =	sshll.u32 s1, $0x11  }
0xbb: {  	s0 =	sor.u32 s1, s0  }
0xbc: {  	s0 =	sadd.s32 $0x8F2B, s0  }
0xbd: {  	[sflag:s0] =	ssyncadd.remote.s32 $0x1  }
0xbe: {  	_ =	sfence.sel $0xFFFF  }
0xbf: {  	[dreg:$0x0] =	wrdreg $0xFFFFFFFF;
	(pc) =	sbr.abs _section_cstart, $3  }
0xc0: {  	[dreg:$0x1] =	wrdreg $0xFFFFFFFF  }
0xc1: {  	_ =	task.clear_ibuf [dreg:s7], $0x2FFFF;
	_ =	strace $0x9FFFFFFF  }
0xc2: {  	(tm) =	ssettm $0x7FFFFFFF  }
0xc3: {  	_ =	shalt  }
tec
execute0_lowered:
.L_overlay_start_1:
0x0: {  	(tag) =	ssettag $0x1  }
0x1: {  	s4 =	rddreg [dreg:$0x0]  }
0x2: {  	s5 =	rddreg [dreg:$0x1]  }
0x3: {  	s0 =	rddreg [dreg:$0x2];
	s2 =	simm.s32 $0x0  }
0x4: {  	s3 =	srdreg.scid;
	s1 =	stileid.u32;
	s12 =	simm.s32 $0x1  }
0x5: {  	s13 =	simm.s32 $0xAC80;
	s14 =	simm.s32 $0xB480;
	s15 =	simm.s32 $0x0  }
0x6: {  	[smem:$0x7FF] =	sst s2;
	s6 =	sand.u32 $0x1, s3;
	s7 =	sshll.u32 s1, $0x1  }
0x7: {  	s3 =	sadd.s32 $0x9400, s4;
	_ =	strace $0x8000004A;
	s7 =	sor.u32 s6, s7  }
0x8: {  	s6 =	ssub.s32 $0x2, s6;
	s8 =	sshll.u32 s7, $0xA;
	s9 =	sshll.u32 s7, $0x8  }
.Ltmp0:
0x9: {  	s30 =	sshrl.u32 s6, $0x1;
	s31 =	sshll.u32 s7, $0x4;
	(pc) =	sbr.rel .LBB2_1-.Ltmp0, $4  }
0xa: {  	s11 =	smul.u32 $0xF600, s7;
	s8 =	sadd.s32 s8, s4;
	s9 =	sadd.s32 s9, s4  }
0xb: {  	s10 =	ssub.s32 s6, s30;
	s5 =	sadd.s32 s5, s31;
	s4 =	sadd.s32 $0x3E1400, s8  }
0xc: {  	v1 =	vlaneseq.u32;
	v2 =	vimm.f32 $-Inf;
	s6 =	sadd.s32 $0x4400, s9;
	s7 =	sadd.s32 $0x2400, s9;
	s8 =	smax.u32 s10, $0x1  }
0xd: {  	v3 =	vimm.s32 $0x0;
	v4 =	vmul.u32 $0x10, v1;
	s9 =	simm.s32 $0x2;
	v0 =	vmov s11;
	s10 =	simm.s32 $0x2000;
	s11 =	simm.s32 $0x80  }
.LBB2_12:
0xe: {  	[hbm4b:s6+s2] =	stream.linear.scatter [tilespmem:s13], [sflag:$0x2], $0x800, $0x38;
	[tilespmem:$0xBC80] =	vst v63  }
0xf: {  	s15 =	sadd.s32 $0x1, s15;
	_ =	swait.ge [sflag:s9], $0x800  }
0x10: {  	p0 =	sne.s32 s15, s8;
	[sflag:s9] =	ssyncset.done $0x0  }
.Ltmp1:
0x11: {  	[sflag:s9] =	ssyncadd.s32 $0xFFFFF800;
	(pc) =	sbr.rel @!p0 .LBB2_13-.Ltmp1, $4  }
0x12: {  	[hbm4b:s7+s2] =	stream.linear.scatter [tilespmem:s14], [sflag:$0x2], $0x800, $0x38;
	[tilespmem:$0xBC80] =	vst v63  }
0x13: {  	_ =	swait.ge [sflag:s9], $0x800  }
0x14: {  	[sflag:s9] =	ssyncset.done $0x0  }
0x15: {  	[sflag:s9] =	ssyncadd.s32 $0xFFFFF800  }
.LBB2_1:
0x16: {  	[tilespmem:s2], [sflag:$0x2] =	stream.linear.gather [hbm4b:s4+s2], $0x2000, $0x38;
	[tilespmem:$0xBC80] =	vst v63  }
0x17: {  	_ =	swait.ge [sflag:s9], $0x2000  }
0x18: {  	[sflag:s9] =	ssyncset.done $0x0  }
0x19: {  	[sflag:s9] =	ssyncadd.s32 $0xFFFFE000  }
0x1a: {  	[tilespmem:s10], [sflag:$0x2] =	stream.linear.gather [hbm4b:s5+s2], $0x80, $0x38;
	[tilespmem:$0xBC80] =	vst v63  }
0x1b: {  	_ =	swait.ge [sflag:s9], $0x80  }
0x1c: {  	[sflag:s9] =	ssyncset.done $0x0  }
0x1d: {  	[sflag:s9] =	ssyncadd.s32 $0xFFFFFF80  }
0x1e: {  	s16 =	simm.s32 $0x0;
	v5 =	vld [tilespmem:$0x2000]  }
.LBB2_2:
0x1f: {  	p0 =	sne.s32 s16, $0x1FC0  }
.Ltmp2:
0x20: {  	_ = 	snop;
	(pc) =	sbr.rel @p0 .LBB2_2-.Ltmp2, $4  }
0x21: {  	_ = 	snop  }
0x22: {  	s17 =	sshra.s32 s16, $0x2  }
0x23: {  	[tilespmem:s17+$0xAC80] =	vst v2  }
0x24: {  	s16 =	sadd.s32 $0x40, s16;
	[tilespmem:s17+$0xB480] =	vst v3  }
0x25: {  	s16 =	simm.s32 $0x0  }
0x26: {  	v6 =	vld [tilespmem:s16+$0x0];
	_ =	sdelay $0x4  }
0x27: {  	vm0 =	vge.f32 v6, v5  }
0x28: {  	v6 =	vsel vm0, $0x1, v3  }
0x29: {  	(xrf0) =	vadd.scan.msk.s32 $0xffff, v6;
	_ =	sdelay $0x2  }
0x2a: {  	v6 =	vor.u32 s16, v1  }
0x2b: {  	p0 =	por $0x1, $0x1;
	s18 =	simm.s32 $0x0  }
0x2c: {  	s18 =	simm.s32 @!p0 $0x3F0  }
0x2d: {  	[tilespmem:s18+$0x2080] =	vst.msk vm0, v6;
	v6, _, _ =	vpop (xrf0)  }
0x2e: {  	(v2sf) =	vpush v6, $0xF;
	_ =	sdelay $0x1  }
0x2f: {  	s17 =	simm.s32 $0x10  }
0x30: {  	s19 =	simm.s32 $0x10;
	s18 =	simm.s32 $0x20;
	v6 =	vld [tilespmem:s17+$0x0]  }
.LBB2_4:
0x31: {  	p0 =	sne.s32 s18, $0x1FF0;
	_ =	sdelay $0x3  }
0x32: {  	vm0 =	vge.f32 v6, v5  }
0x33: {  	v6 =	vsel vm0, $0x1, v3  }
0x34: {  	(xrf0) =	vadd.scan.msk.s32 $0xffff, v6;
	_ =	sdelay $0x4  }
0x35: {  	s20 =	spop (v2sf)  }
.Ltmp3:
0x36: {  	v6, _, _ =	vpop (xrf0);
	s16 =	sadd.s32 s16, s20;
	(pc) =	sbr.rel @p0 .LBB2_4-.Ltmp3, $4  }
0x37: {  	p1 =	slt.s32 s16, $0x3F0;
	(v2sf) =	vpush v6, $0xF;
	s20 =	smov.u32 s16  }
0x38: {  	v6 =	vor.u32 s17, v1;
	s17 =	smov.u32 s18;
	s20 =	simm.s32 @!p1 $0x3F0  }
0x39: {  	s19 =	sadd.s32 $0x10, s19;
	[tilespmem:s20+$0x2080] =	vst.msk vm0, v6  }
0x3a: {  	s18 =	sadd.s32 $0x10, s18;
	v6 =	vld [tilespmem:s19+$0x0]  }
0x3b: {  	_ =	sdelay $0x3  }
0x3c: {  	vm0 =	vge.f32 v6, v5  }
0x3d: {  	v6 =	vsel vm0, $0x1, v3  }
0x3e: {  	(xrf0) =	vadd.scan.msk.s32 $0xffff, v6;
	_ =	sdelay $0x5  }
0x3f: {  	v6, _, _ =	vpop (xrf0)  }
0x40: {  	(v2sf) =	vpush v6, $0xF;
	_ =	sdelay $0xd  }
0x41: {  	s18 =	spop (v2sf)  }
0x42: {  	s20 =	sadd.s32 s16, s18;
	s31 =	spop (v2sf)  }
0x43: {  	s18 =	sadd.s32 s20, s31  }
0x44: {  	p0 =	slt.s32 s18, $0x400  }
0x45: {  	s18 =	simm.s32 @!p0 $0x400  }
0x46: {  	s19 =	sadd.s32 $0xF, s18  }
0x47: {  	p0 =	slt.s32 s20, $0x3F0;
	s16 =	sshra.s32 s19, $0x4  }
0x48: {  	s20 =	simm.s32 @!p0 $0x3F0;
	p0 =	slt.s32 s16, $0x1  }
.Ltmp4:
0x49: {  	_ = 	snop;
	(pc) =	sbr.rel @p0 .LBB2_12-.Ltmp4, $3  }
0x4a: {  	_ =	sdelay $0x1  }
0x4b: {  	v6 =	vor.u32 s17, v1  }
0x4c: {  	[tilespmem:s20+$0x2080] =	vst.msk vm0, v6  }
0x4d: {  	v6 =	vmov s18;
	s17 =	simm.s32 $0x0;
	s19 =	simm.s32 $0x0;
	s18 =	simm.s32 $0x0  }
.LBB2_7:
0x4e: {  	s20 =	sshll.u32 s18, $0x4  }
0x4f: {  	v7 =	vld [tilespmem:s20+$0x2080];
	_ =	sdelay $0x2  }
0x50: {  	v8 =	vor.u32 s20, v1  }
0x51: {  	vm0 =	vlt.s32 v8, v6  }
0x52: {  	s30 =	simm.s32 $0x2000;
	s21 =	simm.s32 $0x4000;
	v7 =	vnsel vm0, $0x0, v7  }
0x53: {  	s31 =	simm.s32 $0x6000;
	s22 =	simm.s32 $0x8000;
	s23 =	simm.s32 $0xA000;
	v8 =	vadd.s32 s30, v7;
	v9 =	vadd.s32 s21, v7  }
0x54: {  	s24 =	simm.s32 $0xC000;
	s25 =	simm.s32 $0xE000;
	v10 =	vadd.s32 s31, v7;
	v11 =	vadd.s32 s22, v7;
	v12 =	vadd.s32 s23, v7  }
0x55: {  	v13 =	vadd.s32 s24, v7;
	v14 =	vadd.s32 s25, v7;
	v8 =	vshra.s32 v8, $0x4  }
0x56: {  	s21 =	simm.s32 $0x2480;
	v9 =	vshra.s32 v9, $0x4;
	v10 =	vshra.s32 v10, $0x4;
	v8 =	vadd.s32 v0, v8  }
0x57: {  	p0 =	por $0x1, $0x1;
	[tilespmem:s21+$0x10] =	vst v8;
	v8 =	vadd.s32 v0, v9;
	v9 =	vadd.s32 v0, v10;
	v10 =	vshra.s32 v11, $0x4  }
0x58: {  	p1 =	por $0x1, $0x1;
	[tilespmem:s21+$0x20] =	vst v8;
	v8 =	vpsel !p0, $0x0, v9;
	v9 =	vadd.s32 v0, v10;
	v10 =	vshra.s32 v12, $0x4  }
0x59: {  	p2 =	por $0x1, $0x1;
	[tilespmem:s21+$0x30] =	vst v8;
	v8 =	vpsel !p1, $0x0, v9;
	v9 =	vadd.s32 v0, v10;
	v10 =	vshra.s32 v13, $0x4  }
0x5a: {  	p3 =	por $0x1, $0x1;
	[tilespmem:s21+$0x40] =	vst v8;
	v8 =	vpsel !p2, $0x0, v9;
	v9 =	vadd.s32 v0, v10;
	v10 =	vshra.s32 v14, $0x4  }
0x5b: {  	p4 =	por $0x1, $0x1;
	v11 =	vadd.s32 s17, v7;
	[tilespmem:s21+$0x50] =	vst v8;
	v8 =	vpsel !p3, $0x0, v9;
	v9 =	vadd.s32 v0, v10  }
0x5c: {  	s24 =	simm.s32 $0x18000;
	s25 =	simm.s32 $0x1A000;
	v10 =	vshra.s32 v11, $0x4;
	[tilespmem:s21+$0x60] =	vst v8;
	v8 =	vpsel !p4, $0x0, v9  }
0x5d: {  	s26 =	simm.s32 $0x12000;
	s28 =	simm.s32 $0x14000;
	s30 =	simm.s32 $0x1C000;
	v61 =	vadd.s32 s24, v7;
	v62 =	vadd.s32 s25, v7;
	v10 =	vadd.s32 v0, v10;
	[tilespmem:s21+$0x70] =	vst v8  }
0x5e: {  	s29 =	simm.s32 $0x16000;
	s20 =	simm.s32 $0x2C80;
	s31 =	simm.s32 $0x1E000;
	v63 =	vadd.s32 s30, v7;
	v11 =	vadd.s32 s28, v7;
	v9 =	vadd.s32 s26, v7;
	[tilespmem:s21+$0x0] =	vst v10  }
0x5f: {  	v11 =	vshra.s32 v11, $0x4;
	v10 =	vadd.s32 s29, v7;
	v9 =	vshra.s32 v9, $0x4;
	[tilespmem:s20], [sflag:$0x1] =	stream.indirect.gather [hbm4b:s3+s11], $0x10, s21, s11, $0xb8;
	[tilespmem:$0xBC80] =	vst v63  }
0x60: {  	v8 =	vadd.s32 s31, v7;
	v9 =	vadd.s32 v0, v9;
	v10 =	vshra.s32 v10, $0x4;
	s21 =	simm.s32 $0x2500  }
0x61: {  	p5 =	por $0x1, $0x1;
	[tilespmem:s21+$0x10] =	vst v9;
	v9 =	vadd.s32 v0, v11;
	v10 =	vadd.s32 v0, v10;
	v11 =	vshra.s32 v61, $0x4  }
0x62: {  	p6 =	por $0x1, $0x1;
	s23 =	simm.s32 $0xF;
	s22 =	simm.s32 $0x20000;
	[tilespmem:s21+$0x20] =	vst v9;
	v9 =	vpsel !p5, $0x0, v10;
	v10 =	vadd.s32 v0, v11;
	v11 =	vshra.s32 v62, $0x4  }
0x63: {  	s24 =	simm.s32 $0x10000;
	s25 =	simm.s32 $0xE;
	p1 =	por $0x1, $0x1;
	[tilespmem:s21+$0x30] =	vst v9;
	v9 =	vpsel !p6, $0x0, v10;
	v11 =	vadd.s32 v0, v11;
	v10 =	vshra.s32 v63, $0x4  }
.LBB2_8:
0x64: {  	p0 =	sne.s32 s22, $0xF0000;
	[tilespmem:s21+$0x40] =	vst v9;
	v9 =	vpsel !p1, $0x0, v11;
	p1 =	slt.u32 s25, $0x7B;
	v10 =	vadd.s32 v0, v10;
	v8 =	vshra.s32 v8, $0x4  }
0x65: {  	v11 =	vadd.s32 s24, v7;
	s24 =	smov.u32 s22;
	[tilespmem:s21+$0x50] =	vst v9;
	v9 =	vpsel !p1, $0x0, v10;
	p1 =	slt.u32 s23, $0x7B;
	v8 =	vadd.s32 v0, v8  }
0x66: {  	s25 =	sadd.s32 $0x2000, s22;
	s26 =	sadd.s32 $0x4000, s22;
	s20 =	sadd.s32 $0x800, s20;
	v10 =	vshra.s32 v11, $0x4;
	[tilespmem:s21+$0x60] =	vst v9;
	v8 =	vpsel !p1, $0x0, v8  }
0x67: {  	s28 =	sadd.s32 $0x8000, s22;
	s29 =	sadd.s32 $0xA000, s22;
	v9 =	vadd.s32 s25, v7;
	s25 =	sadd.s32 $0x6000, s22;
	v10 =	vadd.s32 v0, v10;
	[tilespmem:s21+$0x70] =	vst v8  }
0x68: {  	v11 =	vadd.s32 s26, v7;
	[tilespmem:s21+$0x0] =	vst v10;
	[tilespmem:s20], [sflag:$0x1] =	stream.indirect.gather [hbm4b:s3+s11], $0x10, s21, s11, $0xb8  }
0x69: {  	v12 =	vadd.s32 s28, v7;
	v13 =	vadd.s32 s29, v7;
	s26 =	sadd.s32 $0xE000, s22;
	v10 =	vadd.s32 s25, v7;
	s25 =	sadd.s32 $0xC000, s22  }
.Ltmp5:
0x6a: {  	s23 =	sadd.s32 $0x8, s23;
	v9 =	vshra.s32 v9, $0x4;
	v8 =	vadd.s32 s26, v7;
	v14 =	vadd.s32 s25, v7;
	(pc) =	sbr.rel @p0 .LBB2_8-.Ltmp5, $4  }
0x6b: {  	v11 =	vshra.s32 v11, $0x4;
	v9 =	vadd.s32 v0, v9;
	s21 =	sadd.s32 $0x80, s21;
	s25 =	sadd.s32 $0xFFFFFFFC, s23;
	v10 =	vshra.s32 v10, $0x4  }
0x6c: {  	p1 =	slt.u32 s25, $0x7B;
	v10 =	vadd.s32 v0, v10;
	s25 =	sadd.s32 $0xFFFFFFFD, s23;
	[tilespmem:s21+$0x10] =	vst v9;
	v9 =	vadd.s32 v0, v11;
	v11 =	vshra.s32 v12, $0x4  }
0x6d: {  	[tilespmem:s21+$0x20] =	vst v9;
	v9 =	vpsel !p1, $0x0, v10;
	p1 =	slt.u32 s25, $0x7B;
	v10 =	vadd.s32 v0, v11;
	s25 =	sadd.s32 $0xFFFFFFFE, s23;
	v11 =	vshra.s32 v13, $0x4  }
0x6e: {  	s22 =	sadd.s32 $0x10000, s22;
	[tilespmem:s21+$0x30] =	vst v9;
	v9 =	vpsel !p1, $0x0, v10;
	p1 =	slt.u32 s25, $0x7B;
	v11 =	vadd.s32 v0, v11;
	s25 =	sadd.s32 $0xFFFFFFFF, s23;
	v10 =	vshra.s32 v14, $0x4  }
0x6f: {  	v11 =	vpsel !p1, $0x0, v11;
	s22 =	simm.s32 $0x0  }
0x70: {  	p0 =	slt.u32 s25, $0x7B;
	[tilespmem:s21+$0x40] =	vst v9;
	v9 =	vadd.s32 v0, v10;
	v8 =	vshra.s32 v8, $0x4;
	v10 =	vadd.s32 s24, v7;
	s26 =	sand.u32 $0x70, s22  }
0x71: {  	p6 =	slt.u32 s23, $0x7B;
	[tilespmem:s21+$0x50] =	vst v11;
	v9 =	vpsel !p0, $0x0, v9;
	v8 =	vadd.s32 v0, v8;
	v11 =	vmov s26  }
0x72: {  	v10 =	vshra.s32 v10, $0x4;
	[tilespmem:s21+$0x60] =	vst v9;
	v8 =	vpsel !p6, $0x0, v8;
	v9 =	vshll.u32 v11, $0x4  }
0x73: {  	v10 =	vadd.s32 v0, v10;
	[tilespmem:s21+$0x70] =	vst v8;
	v8 =	vand.u32 $0xF, v7;
	v9 =	vor.u32 v4, v9  }
0x74: {  	s20 =	sadd.s32 $0x800, s20;
	[tilespmem:s21+$0x0] =	vst v10;
	v9 =	vor.u32 v8, v9  }
0x75: {  	[tilespmem:s20], [sflag:$0x1] =	stream.indirect.gather [hbm4b:s3+s11], $0x10, s21, s11, $0xb8;
	[tilespmem:$0xBC80] =	vst v63  }
0x76: {  	_ =	swait.ge [sflag:s12], $0x8000  }
0x77: {  	[sflag:s12] =	ssyncset.done $0x0  }
0x78: {  	s29 =	sand.u32 $0x7800, s22;
	[sflag:s12] =	ssyncadd.s32 $0xFFFF8000  }
0x79: {  	v9 =	vld.idx.msk [tilespmem:v9+s29+$0x2C80], $0xffff;
	_ =	sdelay $0x4  }
0x7a: {  	s28 =	simm.s32 $0x10;
	p0 =	slt.s32 s19, $0x7F0;
	s21 =	smov.u32 s19;
	vm1 =	vge.f32 v9, v5  }
0x7b: {  	s20 =	sand.u32 $0x70, s28;
	s21 =	simm.s32 @!p0 $0x7F0;
	vm1 =	vmand vm0, vm1  }
0x7c: {  	v11 =	vadd.s32 s22, v7;
	v10 =	vmov s20;
	[tilespmem:s21+$0xAC80] =	vst.msk vm1, v9  }
0x7d: {  	v10 =	vshll.u32 v10, $0x4;
	[tilespmem:s21+$0xB480] =	vst.msk vm1, v11;
	v11 =	vsel vm1, $0x1, v3  }
0x7e: {  	v10 =	vor.u32 v4, v10;
	(xrf0) =	vadd.scan.msk.s32 $0xffff, v11  }
0x7f: {  	v10 =	vor.u32 v8, v10;
	_ =	sdelay $0x2  }
0x80: {  	s20 =	simm.s32 $0x100  }
0x81: {  	s30 =	sand.u32 $0x7800, s20  }
0x82: {  	v9 =	vld.idx.msk [tilespmem:v10+s30+$0x2C80], $0xffff;
	v10, _, _ =	vpop (xrf0)  }
0x83: {  	(v2sf) =	vpush v10, $0xF;
	_ =	sdelay $0x8  }
0x84: {  	vm1 =	vge.f32 v9, v5  }
0x85: {  	vm1 =	vmand vm0, vm1  }
0x86: {  	v11 =	vsel vm1, $0x1, v3  }
0x87: {  	s31 =	simm.s32 $0x20;
	(xrf0) =	vadd.scan.msk.s32 $0xffff, v11  }
0x88: {  	s23 =	sand.u32 $0x70, s31;
	s21 =	simm.s32 $0x30  }
.LBB2_10:
0x89: {  	p0 =	sne.s32 s21, $0x7A0;
	v10 =	vmov s23  }
0x8a: {  	v10 =	vshll.u32 v10, $0x4;
	s23 =	spop (v2sf)  }
0x8b: {  	v10 =	vor.u32 v4, v10;
	s19 =	sadd.s32 s19, s23  }
0x8c: {  	v10 =	vor.u32 v8, v10;
	p1 =	slt.s32 s19, $0x7F0;
	s23 =	smov.u32 s19  }
0x8d: {  	s22 =	sadd.s32 $0x2000, s22;
	s23 =	simm.s32 @!p1 $0x7F0;
	v11, _, _ =	vpop (xrf0)  }
0x8e: {  	v12 =	vadd.s32 s22, v7;
	[tilespmem:s23+$0xAC80] =	vst.msk vm1, v9;
	(v2sf) =	vpush v11, $0xF  }
0x8f: {  	s20 =	sadd.s32 $0x100, s20;
	[tilespmem:s23+$0xB480] =	vst.msk vm1, v12  }
0x90: {  	s23 =	sand.u32 $0x7800, s20  }
0x91: {  	v9 =	vld.idx.msk [tilespmem:v10+s23+$0x2C80], $0xffff;
	_ =	sdelay $0x5  }
.Ltmp6:
0x92: {  	vm1 =	vge.f32 v9, v5;
	(pc) =	sbr.rel @p0 .LBB2_10-.Ltmp6, $4  }
0x93: {  	vm1 =	vmand vm0, vm1  }
0x94: {  	v10 =	vsel vm1, $0x1, v3  }
0x95: {  	(xrf0) =	vadd.scan.msk.s32 $0xffff, v10  }
0x96: {  	s23 =	sand.u32 $0x70, s21;
	s21 =	sadd.s32 $0x10, s21  }
0x97: {  	v10 =	vmov s23  }
0x98: {  	v10 =	vshll.u32 v10, $0x4  }
0x99: {  	s21 =	spop (v2sf);
	v10 =	vor.u32 v4, v10  }
0x9a: {  	s19 =	sadd.s32 s19, s21;
	v8 =	vor.u32 v8, v10  }
0x9b: {  	p0 =	slt.s32 s19, $0x7F0;
	s21 =	smov.u32 s19  }
0x9c: {  	s22 =	sadd.s32 $0x2000, s22;
	s21 =	simm.s32 @!p0 $0x7F0  }
0x9d: {  	s20 =	sadd.s32 $0x100, s20;
	v60 =	vadd.s32 s22, v7;
	[tilespmem:s21+$0xAC80] =	vst.msk vm1, v9  }
0x9e: {  	s20 =	sand.u32 $0x7800, s20;
	[tilespmem:s21+$0xB480] =	vst.msk vm1, v60  }
0x9f: {  	v8 =	vld.idx.msk [tilespmem:v8+s20+$0x2C80], $0xffff;
	_ =	sdelay $0x4  }
0xa0: {  	vm15 =	vge.f32 v8, v5  }
0xa1: {  	vm0 =	vmand vm0, vm15  }
0xa2: {  	v62, _, _ =	vpop (xrf0);
	v61 =	vsel vm0, $0x1, v3  }
0xa3: {  	(v2sf) =	vpush v62, $0xF;
	(xrf0) =	vadd.scan.msk.s32 $0xffff, v61;
	_ =	sdelay $0x5  }
0xa4: {  	v63, _, _ =	vpop (xrf0)  }
0xa5: {  	(v2sf) =	vpush v63, $0xF;
	_ =	sdelay $0x7  }
0xa6: {  	s29 =	spop (v2sf)  }
0xa7: {  	s19 =	sadd.s32 s19, s29  }
0xa8: {  	s18 =	sadd.s32 $0x1, s18;
	p0 =	slt.s32 s19, $0x7F0;
	s20 =	smov.u32 s19  }
0xa9: {  	s20 =	simm.s32 @!p0 $0x7F0;
	p0 =	sne.s32 s18, s16  }
.Ltmp7:
0xaa: {  	_ = 	snop;
	(pc) =	sbr.rel @p0 .LBB2_7-.Ltmp7, $4  }
.Ltmp8:
0xab: {  	_ = 	snop;
	(pc) =	sbr.rel @!p0 .LBB2_12-.Ltmp8, $4  }
0xac: {  	s30 =	sadd.s32 $0x2000, s22  }
0xad: {  	v7 =	vadd.s32 s30, v7;
	[tilespmem:s20+$0xAC80] =	vst.msk vm0, v8;
	s31 =	spop (v2sf)  }
0xae: {  	[tilespmem:s20+$0xB480] =	vst.msk vm0, v7;
	s19 =	sadd.s32 s19, s31  }
0xaf: {  	_ = 	snop  }
.LBB2_13:
0xb0: {  	_ =	sfence.sel $0x180000  }
0xb1: {  	[bflag:$0x0] =	sbarrier.arrive $0xFFFF  }
0xb2: {  	p0 =	sne.s32 s1, $0x0;
	_ =	strace $0x9000004A  }
0xb3: {  	s0 =	sadd.s32 @!p0 $0x100000, s0;
	[bflag:$0x2] =	sbarrier.arrive $0xFFFF  }
0xb4: {  	[sflag:s0] =	ssyncadd.tile.s32 @!p0 $0x1;
	_ =	shalt  }
.Lfunc_end2:
_tile_overlayer_lowered:
.L_overlay_start_2:
0xb5: {  	(tag) =	ssettag $0x2  }
0xb6: {  	s0 =	rddreg [dreg:$0x0];
	s2 =	stileid.u32  }
0xb7: {  	s1 =	rddreg [dreg:$0x1];
	p0 =	sne.s32 s2, $0x0  }
0xb8: {  	s3 =	rddreg [dreg:$0x2];
	[bflag:$0x3] =	sbarrier.arrive $0xFFFF;
	s2 =	simm.s32 @!p0 $0x1C02  }
0xb9: {  	[timem:s3], [sflag:s2] =	dma.local @!p0 [hbm:s0], s1  }
0xba: {  	s0 =	simm.s32 @!p0 $0x2  }
0xbb: {  	_ =	swait.ge @!p0 [sflag:s0], s1  }
0xbc: {  	s1 =	ssub.s32 @!p0 $0x0, s1;
	[sflag:s0] =	ssyncset.done @!p0 $0x0  }
0xbd: {  	[sflag:s0] =	ssyncadd.s32 @!p0 s1  }
0xbe: {  	[bflag:$0x3] =	sbarrier.arrive $0xFFFF  }
0xbf: {  	_ =	shalt  }

// kernel: sparse-core-data-format-call.cloned.1.call-start
scs
called_computation_lowered:
.L_overlay_start_0:
0x0: {  	s1 =	sld [smem:$0x3FD9]  }
0x1: {  	s2 =	sld [smem:$0x3FFE];
	_ =	sdelay $0x1  }
0x2: {  	s3 =	srdreg.scid  }
0x3: {  	s0 =	sand.u32 $0x1, s3  }
0x4: {  	s17 =	sshll.u32 s0, $0xA;
	s1 =	sadd.s32 s2, s1  }
0x5: {  	s1 =	sadd.s32 s1, s17  }
0x6: {  	[smem:$0x3FC6] =	sst s1  }
0x7: {  	_ = 	snop  }
0x8: {  	(tm) =	ssettm $0x1  }
0x9: {  	s18 =	sld [smem:$0x3FFB];
	_ =	sdelay $0x3  }
0xa: {  	_ =	strace s18  }
0xb: {  	s1 =	sld [smem:$0x3FFC];
	_ =	sdelay $0x3  }
0xc: {  	_ =	strace s1  }
0xd: {  	s1 =	sld [smem:$0x3FFD];
	_ =	sdelay $0x3  }
0xe: {  	_ =	strace s1  }
0xf: {  	_ =	strace $0x8FFFFFFF  }
0x10: {  	s19 =	sld [smem:$0x3FDB];
	_ =	sdelay $0x1  }
0x11: {  	s20 =	simm.s32 $_scs_section_size  }
0x12: {  	s4 =	simm.s32 $_size__tile_overlayer_lowered;
	s5 =	simm.s32 $_tile_overlayer_lowered  }
0x13: {  	s23 =	simm.s32 $0x1BFF;
	s22 =	sshll.u32 s5, $0x1;
	s1 =	sadd.s32 s20, s19  }
0x14: {  	s6 =	simm.s32 $0x0;
	s21 =	sshll.u32 s4, $0x1;
	s4 =	sadd.s32 s22, s1  }
0x15: {  	[timem:s6], [sflag:s23] =	dma.local [hbm:s4], s21  }
0x16: {  	_ =	swait.ge [sflag:s23], s21  }
0x17: {  	s2 =	ssub.s32 $0x0, s21;
	[sflag:s23] =	ssyncset.done $0x0  }
0x18: {  	[sflag:s23] =	ssyncadd.s32 s2;
	_ =	sdelay $0x1  }
0x19: {  	s24 =	simm.s32 $0x1B8B  }
0x1a: {  	_ =	swait.ge [sflag:s24], $0x1  }
0x1b: {  	[sflag:s24] =	ssyncset.done $0x0  }
0x1c: {  	s26 =	simm.s32 $0x1B8E;
	s25 =	sld [smem:$0x3FFE];
	[sflag:s24] =	ssyncadd.s32 $0xFFFFFFFF  }
0x1d: {  	s27 =	simm.s32 $execute0_lowered;
	[smem:$0x3FD2] =	sst s26  }
0x1e: {  	s4 =	sshll.u32 s27, $0x1;
	_ =	strace $0x80000046;
	[dreg:$0x1] =	wrdreg $0xFFFFFFFF  }
0x1f: {  	s28 =	simm.s32 $_size_execute0_lowered;
	s1 =	sadd.s32 s1, s4;
	[dreg:$0x0] =	wrdreg $0x0  }
0x20: {  	s4 =	sshll.u32 s28, $0x1;
	[dreg:$0x2] =	wrdreg s1  }
0x21: {  	[dreg:$0x3] =	wrdreg s4  }
0x22: {  	[dreg:$0x4] =	wrdreg $0xC0  }
0x23: {  	_ =	task [dreg:s6], $0x5FFFF  }
0x24: {  	[dreg:$0x1] =	wrdreg $0xFFFFFFFF  }
0x25: {  	[dreg:$0x0] =	wrdreg $0x60  }
0x26: {  	[dreg:$0x2] =	wrdreg s25  }
0x27: {  	[dreg:$0x3] =	wrdreg $0x9  }
0x28: {  	_ =	task.clear_ibuf [dreg:s6], $0x4FFFF;
	_ =	strace $0x90000046  }
0x29: {  	s29 =	simm.s32 $0x9;
	_ =	strace $0x80000048  }
0x2a: {  	_ =	swait.ge [sflag:s29], $0x1  }
0x2b: {  	[sflag:s29] =	ssyncadd.s32 $0xFFFFFFFF  }
0x2c: {  	_ =	strace $0x90000048  }
0x2d: {  	_ =	sfence  }
0x2e: {  	s30 =	sld [smem:$0x0];
	_ =	sdelay $0x2  }
0x2f: {  	s31 =	sshll.u32 s3, $0xD;
	s3 =	sshrl.u32 s3, $0x2  }
0x30: {  	s2 =	sand.u32 $0x4000, s31;
	s1 =	sadd.s32 s3, s30  }
0x31: {  	s0 =	sor.u32 s2, s0;
	s1 =	sshll.u32 s1, $0x11  }
0x32: {  	s0 =	sor.u32 s1, s0  }
0x33: {  	s0 =	sadd.s32 $0x8F2B, s0  }
0x34: {  	[sflag:s0] =	ssyncadd.remote.s32 $0x1  }
0x35: {  	_ =	sfence.sel $0xFFFF  }
0x36: {  	[dreg:$0x0] =	wrdreg $0xFFFFFFFF;
	(pc) =	sbr.abs _section_cstart, $3  }
0x37: {  	[dreg:$0x1] =	wrdreg $0xFFFFFFFF  }
0x38: {  	_ =	task.clear_ibuf [dreg:s6], $0x2FFFF;
	_ =	strace $0x9FFFFFFF  }
0x39: {  	(tm) =	ssettm $0x7FFFFFFF  }
tec
execute0_lowered:
.L_overlay_start_1:
0x0: {  	(tag) =	ssettag $0x1  }
0x1: {  	s0 =	stileid.u32  }
0x2: {  	s1 =	srdreg.scid;
	s4 =	rddreg [dreg:$0x0]  }
0x3: {  	s7 =	simm.s32 $0x1;
	s8 =	simm.s32 $0x2;
	s15 =	simm.s32 $0x0  }
0x4: {  	s9 =	simm.s32 $0x800;
	s2 =	sshll.u32 s0, $0x2;
	s1 =	sshll.u32 s1, $0x6  }
0x5: {  	s10 =	simm.s32 $0xF6000;
	s11 =	simm.s32 $0x0;
	s2 =	sor.u32 s2, s1  }
0x6: {  	s16 =	simm.s32 $0x0;
	s14 =	simm.s32 $0x0;
	s2 =	sand.u32 $0x70, s2  }
0x7: {  	s3 =	sadd.s32 $0xF43800, s4;
	s4 =	sadd.s32 $0x9400, s4;
	s6 =	ssub.s32 $0x1EC0, s2  }
.Ltmp0:
0x8: {  	s1 =	rddreg [dreg:$0x1];
	s5 =	sand.u32 $0x70, s6;
	(pc) =	sbr.rel .LBB1_1-.Ltmp0, $4  }
0x9: {  	_ =	strace $0x80000047;
	s12 =	smov.u32 s2;
	p0 =	sne.s32 s5, $0x0  }
0xa: {  	s6 =	sshrl.u32 s6, $0x7;
	s5 =	simm.s32 $0x1;
	s7 =	simm.s32 @!p0 $0x0  }
0xb: {  	[sflag:s5] =	ssyncpa.u1 $0x0;
	s6 =	sadd.s32 s7, s6;
	s7 =	sand.u32 $0x3, s0  }
0xc: {  	[sflag:s8] =	ssyncpa.u1 $0x0;
	s8 =	sadd.s32 $0x1, s6;
	s13 =	smov.u32 s7  }
.LBB1_7:
0xd: {  	s17 =	sadd.s32 $0x80, s12  }
0xe: {  	s15 =	sadd.s32 $0x4, s13;
	s19 =	smov.u32 s13;
	p1 =	sgt.s32 s17, $0x1EBF  }
0xf: {  	s19 =	smov.u32 @p1 s15  }
0x10: {  	s17 =	smov.u32 @p1 s2;
	p1 =	sgt.s32 s19, $0x3  }
0x11: {  	s19 =	smov.u32 @p1 s7;
	p1 =	sne.s32 s14, s8  }
.Ltmp1:
0x12: {  	p0 =	slt.u32 s14, $0x2;
	(pc) =	sbr.rel @!p1 .LBB1_8-.Ltmp1, $4  }
0x13: {  	s18 =	simm.s32 @!p0 $0x2  }
0x14: {  	s16 =	smov.u32 s13;
	s11 =	sadd.s32 $0x4000, s11;
	_ =	swait.ge @!p0 [sflag:s18], $0x4000  }
0x15: {  	s15 =	smov.u32 s12;
	[sflag:s18] =	ssyncset.done @!p0 $0x0;
	s12 =	smov.u32 s17  }
0x16: {  	s14 =	sadd.s32 $0x1, s14;
	[sflag:s18] =	ssyncadd.s32 @!p0 $0xFFFFC000;
	s13 =	smov.u32 s19  }
.LBB1_1:
0x17: {  	p0 =	sge.u32 s14, s6  }
0x18: {  	s17 =	smul.u32 @!p0 $0xF6000, s13  }
0x19: {  	s31 =	sadd.s32 $0xFFFFFFFF, s14;
	s18 =	sxor.u32 @!p0 $0xFFFFFFFF, s14  }
0x1a: {  	s19 =	sshll.u32 @!p0 s12, $0x7;
	s18 =	sshll.u32 @!p0 s18, $0xE;
	s17 =	sadd.s32 @!p0 s3, s17  }
0x1b: {  	s18 =	sand.u32 @!p0 $0x4000, s18;
	s17 =	sadd.s32 @!p0 s19, s17;
	s19 =	simm.s32 @!p0 $0x0  }
0x1c: {  	[tilespmem:s18], [sflag:$0x1] =	stream.linear.gather @!p0 [hbm4b:s17+s19], $0x4000, $0x38;
	[tilespmem:$0x10000] =	vst v63  }
0x1d: {  	p0 =	sge.u32 s31, s6  }
.Ltmp2:
0x1e: {  	_ = 	snop;
	(pc) =	sbr.rel @p0 .LBB1_7-.Ltmp2, $1  }
0x1f: {  	_ =	sdelay $0x3  }
0x20: {  	s17 =	sand.u32 $0x4000, s11  }
0x21: {  	_ =	swait.ge [sflag:s5], $0x4000;
	s20 =	sshll.u32 s14, $0xE;
	s18 =	sor.u32 $0x8040, s17  }
0x22: {  	s19 =	sor.u32 $0x40, s17;
	[sflag:s5] =	ssyncset.done $0x0;
	s31 =	sand.u32 $0x4000, s20  }
0x23: {  	s20 =	simm.s32 $0x0;
	[sflag:s5] =	ssyncadd.s32 $0xFFFFC000;
	s17 =	sor.u32 $0x8000, s31  }
.LBB1_3:
0x24: {  	v0 =	vmov s19;
	_ =	sdelay $0x3  }
0x25: {  	s22 =	simm.s32 $0x0  }
0x26: {  	v6 =	vld.idx.msk [tilespmem:v0+s22+$0x30 ss:$0x1], $0xffff  }
0x27: {  	v7 =	vld.idx.msk [tilespmem:v0+s22+$0xFFFFFFC0 ss:$0x1], $0xffff  }
0x28: {  	v5 =	vld.idx.msk [tilespmem:v0+s22+$0xFFFFFFD0 ss:$0x1], $0xffff  }
0x29: {  	v4 =	vld.idx.msk [tilespmem:v0+s22+$0xFFFFFFE0 ss:$0x1], $0xffff  }
0x2a: {  	v3 =	vld.idx.msk [tilespmem:v0+s22+$0xFFFFFFF0 ss:$0x1], $0xffff  }
0x2b: {  	v1 =	vld.idx.msk [tilespmem:v0+s22+$0x0 ss:$0x1], $0xffff  }
0x2c: {  	v2 =	vld.idx.msk [tilespmem:v0+s22+$0x10 ss:$0x1], $0xffff;
	[tilespmem:s18+$0x30] =	vst v6  }
0x2d: {  	s21 =	simm.s32 $0x80;
	s23 =	simm.s32 $0x400;
	[tilespmem:s18+$0xFFFFFFC0] =	vst v7;
	v6 =	vld.idx.msk [tilespmem:v0+s22+$0x20 ss:$0x1], $0xffff;
	s22 =	smov.u32 s18  }
.LBB1_4:
0x2e: {  	p0 =	sne.s32 s23, $0xE00;
	v7 =	vld.idx.msk [tilespmem:v0+s21+$0x30 ss:$0x1], $0xffff;
	[tilespmem:s22+$0xFFFFFFD0] =	vst v5  }
0x2f: {  	v8 =	vld.idx.msk [tilespmem:v0+s21+$0xFFFFFFC0 ss:$0x1], $0xffff;
	[tilespmem:s22+$0xFFFFFFE0] =	vst v4  }
0x30: {  	v5 =	vld.idx.msk [tilespmem:v0+s21+$0xFFFFFFD0 ss:$0x1], $0xffff;
	[tilespmem:s22+$0xFFFFFFF0] =	vst v3  }
.Ltmp3:
0x31: {  	v4 =	vld.idx.msk [tilespmem:v0+s21+$0xFFFFFFE0 ss:$0x1], $0xffff;
	[tilespmem:s22+$0x0] =	vst v1;
	(pc) =	sbr.rel @p0 .LBB1_4-.Ltmp3, $4  }
0x32: {  	v3 =	vld.idx.msk [tilespmem:v0+s21+$0xFFFFFFF0 ss:$0x1], $0xffff;
	[tilespmem:s22+$0x10] =	vst v2  }
0x33: {  	v1 =	vld.idx.msk [tilespmem:v0+s21+$0x0 ss:$0x1], $0xffff;
	[tilespmem:s22+$0x20] =	vst v6;
	s22 =	sadd.s32 $0x800, s22  }
0x34: {  	v2 =	vld.idx.msk [tilespmem:v0+s21+$0x10 ss:$0x1], $0xffff;
	[tilespmem:s22+$0x30] =	vst v7  }
0x35: {  	[tilespmem:s22+$0xFFFFFFC0] =	vst v8;
	v6 =	vld.idx.msk [tilespmem:v0+s21+$0x20 ss:$0x1], $0xffff;
	s21 =	sshra.s32 s23, $0x2;
	s23 =	sadd.s32 $0x200, s23  }
0x36: {  	_ =	sdelay $0x2  }
0x37: {  	[tilespmem:s22+$0xFFFFFFD0] =	vst v5  }
0x38: {  	v56 =	vld.idx.msk [tilespmem:v0+s21+$0x30 ss:$0x1], $0xffff;
	[tilespmem:s22+$0xFFFFFFE0] =	vst v4  }
0x39: {  	v57 =	vld.idx.msk [tilespmem:v0+s21+$0xFFFFFFC0 ss:$0x1], $0xffff;
	[tilespmem:s22+$0xFFFFFFF0] =	vst v3  }
0x3a: {  	v58 =	vld.idx.msk [tilespmem:v0+s21+$0xFFFFFFD0 ss:$0x1], $0xffff;
	[tilespmem:s22+$0x0] =	vst v1  }
0x3b: {  	v59 =	vld.idx.msk [tilespmem:v0+s21+$0xFFFFFFE0 ss:$0x1], $0xffff;
	[tilespmem:s22+$0x10] =	vst v2  }
0x3c: {  	v60 =	vld.idx.msk [tilespmem:v0+s21+$0xFFFFFFF0 ss:$0x1], $0xffff;
	s31 =	sadd.s32 $0x800, s22;
	[tilespmem:s22+$0x20] =	vst v6  }
0x3d: {  	v61 =	vld.idx.msk [tilespmem:v0+s21+$0x0 ss:$0x1], $0xffff;
	[tilespmem:s31+$0x30] =	vst v56  }
0x3e: {  	v62 =	vld.idx.msk [tilespmem:v0+s21+$0x10 ss:$0x1], $0xffff;
	s20 =	sadd.s32 $0x1, s20;
	[tilespmem:s31+$0xFFFFFFC0] =	vst v57  }
0x3f: {  	v63 =	vld.idx.msk [tilespmem:v0+s21+$0x20 ss:$0x1], $0xffff;
	p0 =	sne.s32 s20, $0x10;
	[tilespmem:s31+$0xFFFFFFD0] =	vst v58  }
.Ltmp4:
0x40: {  	[tilespmem:s31+$0xFFFFFFE0] =	vst v59;
	(pc) =	sbr.rel @p0 .LBB1_3-.Ltmp4, $4  }
0x41: {  	[tilespmem:s31+$0xFFFFFFF0] =	vst v60  }
0x42: {  	[tilespmem:s31+$0x0] =	vst v61  }
0x43: {  	[tilespmem:s31+$0x10] =	vst v62  }
0x44: {  	s18 =	sadd.s32 $0x80, s18;
	s19 =	sadd.s32 $0x400, s19;
	[tilespmem:s31+$0x20] =	vst v63  }
0x45: {  	s15 =	sand.u32 $0x1FFFFFF, s15  }
0x46: {  	s18 =	smulhi.u32 $0x10A6811, s15;
	_ =	sdelay $0x1  }
0x47: {  	s16 =	smul.u32 $0xF6000, s16;
	s18 =	sshrl.u32 s18, $0x5  }
0x48: {  	s18 =	smul.u32 $0x1EC0, s18  }
.Ltmp5:
0x49: {  	_ = 	snop;
	(pc) =	sbr.rel .LBB1_7-.Ltmp5, $4  }
0x4a: {  	s15 =	ssub.s32 s15, s18  }
0x4b: {  	s16 =	sadd.s32 s4, s16;
	s15 =	sshll.u32 s15, $0x4  }
0x4c: {  	s15 =	sadd.s32 s15, s16  }
0x4d: {  	[hbm4b:s15+s9] =	stream.strided.scatter [tilespmem:s17], [sflag:$0x2], $0x4000, s10, s9, $0x38;
	[tilespmem:$0x10000] =	vst v63  }
.LBB1_8:
0x4e: {  	_ =	sfence.sel $0x180000  }
0x4f: {  	s2 =	simm.s32 $0x1;
	[bflag:$0x0] =	sbarrier.arrive $0xFFFF  }
0x50: {  	s31 =	simm.s32 $0x2;
	[sflag:s2] =	ssyncpa.u1 $0x1  }
0x51: {  	[sflag:s31] =	ssyncpa.u1 $0x1  }
0x52: {  	p0 =	sne.s32 s0, $0x0;
	_ =	strace $0x90000047  }
0x53: {  	s0 =	sadd.s32 @!p0 $0x100000, s1;
	[bflag:$0x2] =	sbarrier.arrive $0xFFFF  }
0x54: {  	[sflag:s0] =	ssyncadd.tile.s32 @!p0 $0x1;
	_ =	shalt  }
.Lfunc_end1:
_tile_overlayer_lowered:
.L_overlay_start_2:
0x55: {  	(tag) =	ssettag $0x2  }
0x56: {  	s0 =	rddreg [dreg:$0x0];
	s2 =	stileid.u32  }
0x57: {  	s1 =	rddreg [dreg:$0x1];
	p0 =	sne.s32 s2, $0x0  }
0x58: {  	s3 =	rddreg [dreg:$0x2];
	[bflag:$0x3] =	sbarrier.arrive $0xFFFF;
	s2 =	simm.s32 @!p0 $0x1C01  }
0x59: {  	[timem:s3], [sflag:s2] =	dma.local @!p0 [hbm:s0], s1  }
0x5a: {  	s0 =	simm.s32 @!p0 $0x1  }
0x5b: {  	_ =	swait.ge @!p0 [sflag:s0], s1  }
0x5c: {  	s1 =	ssub.s32 @!p0 $0x0, s1;
	[sflag:s0] =	ssyncset.done @!p0 $0x0  }
0x5d: {  	[sflag:s0] =	ssyncadd.s32 @!p0 s1  }
0x5e: {  	[bflag:$0x3] =	sbarrier.arrive $0xFFFF  }
0x5f: {  	_ =	shalt  }

</sc_bundles>
